<compile_context>
chip_gen: v7x
topology: tpu7x:2x2x1
jax: 0.10.2.dev20260603
libtpu: 0.0.44.dev20260713+nightly
codegen_flags: <defaults>
</compile_context>

<pallas_src>
import functools

import jax
import jax.numpy as jnp
from jax import lax
from jax.experimental import pallas as pl
from jax.experimental.pallas import tpu as pltpu
from jax.experimental.pallas import tpu_sc as plsc

VOCAB = 1000
EMBED_DIM = 64
BATCH = 4096
SEQ = 200

NUM_CORES = 2
NUM_SUBCORES = 16
NW = NUM_CORES * NUM_SUBCORES
BCHUNK = 128
NBB = BATCH // BCHUNK
LANES = 16
NJ = EMBED_DIM // LANES

_mesh = plsc.VectorSubcoreMesh(core_axis_name="c", subcore_axis_name="s")


@functools.partial(
    pl.kernel,
    mesh=_mesh,
    out_type=jax.ShapeDtypeStruct((SEQ, EMBED_DIM, BATCH), jnp.float32),
    scratch_types=[
        pltpu.VMEM((VOCAB * EMBED_DIM,), jnp.float32),
        pltpu.VMEM((SEQ, BCHUNK), jnp.int32),
        pltpu.VMEM((2, 1, EMBED_DIM, BCHUNK), jnp.float32),
        pltpu.SemaphoreType.DMA,
        pltpu.SemaphoreType.DMA,
    ],
    compiler_params=pltpu.CompilerParams(use_tc_tiling_on_sc=True,
                                         needs_layout_passes=False),
)
def _sc_lookup(idx_hbm, table_hbm, out_hbm,
               table_v, idx_v, out_v, wsem_a, wsem_b):
    wid = lax.axis_index("s") * NUM_CORES + lax.axis_index("c")
    b0 = pl.multiple_of(wid * BCHUNK, BCHUNK)
    wsems = (wsem_a, wsem_b)
    iota = lax.iota(jnp.int32, LANES)

    pltpu.sync_copy(table_hbm, table_v)
    pltpu.sync_copy(idx_hbm.at[pl.ds(0, SEQ), pl.ds(b0, BCHUNK)], idx_v)

    def out_window(i):
        return out_hbm.at[pl.ds(i, 1), pl.ds(0, EMBED_DIM),
                          pl.ds(b0, BCHUNK)]

    def body(t, carry):
        for q in range(2):
            i = 2 * t + q

            @pl.when(t > 0)
            def _():
                pltpu.make_async_copy(out_v.at[q], out_window(0),
                                      wsems[q]).wait()

            @plsc.parallel_loop(0, BCHUNK, unroll=4)
            def fill(ii):
                bg = lax.shift_right_logical(ii, 4)
                r = lax.bitwise_and(ii, LANES - 1)
                bl = bg * LANES
                idx16 = idx_v[i, pl.ds(bl, LANES)]
                vbase = idx16 * EMBED_DIM
                colv = iota + bl
                rot = lax.bitwise_and(iota + r, LANES - 1)
                laddr = vbase + rot
                for j in range(NJ):
                    val = plsc.load_gather(table_v, [laddr + j * LANES])
                    plsc.store_scatter(out_v.at[q, 0],
                                       [rot + j * LANES, colv], val)

            pltpu.async_copy(out_v.at[q], out_window(i), wsems[q])
        return carry

    lax.fori_loop(0, SEQ // 2, body, 0)

    for q in range(2):
        pltpu.make_async_copy(out_v.at[q], out_window(0), wsems[q]).wait()


def kernel(word_sequences, table):
    idx_t = word_sequences.astype(jnp.int32).T
    table_flat = table.reshape(VOCAB * EMBED_DIM)
    out_t = _sc_lookup(idx_t, table_flat)
    return out_t.transpose(2, 0, 1)

# --- scband reference (transcript-rebuilt; emitter-appended) ---
"""Pipeline reference for scband-default-lexer-19138374271555 (READ-ONLY COPY).

The authoritative reference and input builder live on the scoring server;
editing this copy changes nothing except your own understanding.
"""

import jax, jax.numpy as jnp
import numpy as np

VOCAB = 1000
EMBED_DIM = 64
BATCH = 4096
SEQ = 200
PAD_IDX = 0


def setup_inputs(seed: int = 0) -> dict:
    key = jax.random.key(seed)
    k1, k2 = jax.random.split(key)
    word_sequences = jax.random.randint(k1, (BATCH, SEQ), 0, VOCAB)
    table = jax.random.normal(k2, (VOCAB, EMBED_DIM), dtype=jnp.float32)
    # nn.Embedding(padding_idx=PAD_IDX) initializes the pad row to zeros
    table = table.at[PAD_IDX].set(0.0)
    return {"word_sequences": word_sequences, "table": table}


def reference(word_sequences, table):
    # DefaultLexer.forward: self.embedding(word_sequences)
    return jnp.take(table, word_sequences, axis=0)

if __name__ == "__main__":
    import jax
    _d = setup_inputs()
    print(jax.jit(kernel)(*tuple(_d.values())))

</pallas_src>

<mosaic_0001>
#map = affine_map<(d0, d1) -> (0, 0)>
#map1 = affine_map<(d0, d1) -> (0)>
#map2 = affine_map<(d0, d1) -> (0, 0, 0)>
module attributes {stable_mosaic.version = 14 : i64} {
  func.func @_sc_lookup(%arg0: i32, %arg1: i32, %arg2: memref<200x4096xi32, #tpu.memory_space<hbm>>, %arg3: memref<64000xf32, #tpu.memory_space<hbm>>, %arg4: memref<200x64x4096xf32, #tpu.memory_space<hbm>>, %arg5: memref<64000xf32, #tpu.memory_space<vmem>>, %arg6: memref<200x128xi32, #tpu.memory_space<vmem>>, %arg7: memref<2x1x64x128xf32, #tpu.memory_space<vmem>>, %arg8: memref<!tpu.dma_semaphore, #tpu.memory_space<semaphore_mem>>, %arg9: memref<!tpu.dma_semaphore, #tpu.memory_space<semaphore_mem>>) attributes {dimension_semantics = [#tpu.dimension_semantics<core_parallel>, #tpu.dimension_semantics<subcore_parallel>], iteration_bounds = array<i64: 2, 16>, scalar_prefetch = 0 : i64, scratch_operands = 5 : i64, tpu.core_type = #tpu.core_type<sc_vector_subcore>, window_params = [{transform_indices = #map}, {transform_indices = #map1}, {transform_indices = #map2}]} {
    %mul3A = arith.constant 2 : i32
    %mul3A_0 = arith.muli %arg1, %mul3A : i32
    %add3A = arith.addi %mul3A_0, %arg0 : i32
    %mul3A_1 = arith.constant 128 : i32
    %mul3A_2 = arith.muli %add3A, %mul3A_1 : i32
    %multiple_of3A = tpu.assume_multiple %mul3A_2, 128 : i32
    %iota3A = tpu.iota {dimensions = array<i32: 0>} : vector<16xi32>
    "tpu.region"() ({
      %run_scoped3A = tpu.sem_alloc : memref<!tpu.dma_semaphore, #tpu.memory_space<semaphore_mem>>
      tpu.enqueue_dma source(%arg3 : memref<64000xf32, #tpu.memory_space<hbm>>) target(%arg5 : memref<64000xf32, #tpu.memory_space<vmem>>) target_semaphore(%run_scoped3A : memref<!tpu.dma_semaphore, #tpu.memory_space<semaphore_mem>>)
      tpu.wait_dma2 semaphore(%run_scoped3A : memref<!tpu.dma_semaphore, #tpu.memory_space<semaphore_mem>>) src(%arg3 : memref<64000xf32, #tpu.memory_space<hbm>>) dst(%arg5 : memref<64000xf32, #tpu.memory_space<vmem>>)
      tpu.yield
    }) : () -> ()
    "tpu.region"() ({
      %run_scoped3A = tpu.sem_alloc : memref<!tpu.dma_semaphore, #tpu.memory_space<semaphore_mem>>
      %dma_start3A = arith.constant 0 : i32
      %dma_start3A_41 = tpu.memref_slice %arg2[%dma_start3A, %multiple_of3A] : memref<200x4096xi32, #tpu.memory_space<hbm>> -> memref<200x128xi32, #tpu.memory_space<hbm>>
      %dma_start3A_42 = arith.constant 0 : i32
      %dma_start3A_43 = tpu.memref_slice %arg2[%dma_start3A_42, %multiple_of3A] : memref<200x4096xi32, #tpu.memory_space<hbm>> -> memref<200x128xi32, #tpu.memory_space<hbm>>
      tpu.enqueue_dma source(%dma_start3A_43 : memref<200x128xi32, #tpu.memory_space<hbm>>) target(%arg6 : memref<200x128xi32, #tpu.memory_space<vmem>>) target_semaphore(%run_scoped3A : memref<!tpu.dma_semaphore, #tpu.memory_space<semaphore_mem>>)
      %dma_wait3A_44 = arith.constant 0 : i32
      %dma_wait3A_45 = tpu.memref_slice %arg2[%dma_wait3A_44, %multiple_of3A] : memref<200x4096xi32, #tpu.memory_space<hbm>> -> memref<200x128xi32, #tpu.memory_space<hbm>>
      %dma_wait3A_46 = arith.constant 0 : i32
      %dma_wait3A_47 = tpu.memref_slice %arg2[%dma_wait3A_46, %multiple_of3A] : memref<200x4096xi32, #tpu.memory_space<hbm>> -> memref<200x128xi32, #tpu.memory_space<hbm>>
      tpu.wait_dma2 semaphore(%run_scoped3A : memref<!tpu.dma_semaphore, #tpu.memory_space<semaphore_mem>>) src(%dma_wait3A_47 : memref<200x128xi32, #tpu.memory_space<hbm>>) dst(%arg6 : memref<200x128xi32, #tpu.memory_space<vmem>>)
      tpu.yield
    }) : () -> ()
    %scan3A = arith.constant 0 : i32
    %scan3A_3 = arith.constant 0 : i32
    %scan3A_4 = arith.constant 100 : i32
    %scan3A_5 = arith.addi %scan3A_3, %scan3A_4 : i32
    %scan3A_6 = arith.constant 1 : i32
    scf.for %scan3A_41 = %scan3A_3 to %scan3A_5 step %scan3A_6  : i32 {
      %mul3A_42 = arith.constant 2 : i32
      %mul3A_43 = arith.muli %mul3A_42, %scan3A_41 : i32
      %add3A_44 = arith.constant 0 : i32
      %add3A_45 = arith.addi %mul3A_43, %add3A_44 : i32
      %gt3A = arith.constant 0 : i32
      %gt3A_46 = arith.cmpi sgt, %scan3A_41, %gt3A : i32
      %convert_element_type3A = arith.extui %gt3A_46 : i1 to i32
      %cond3A = arith.constant 0 : i32
      %cond3A_47 = arith.cmpi ne, %convert_element_type3A, %cond3A : i32
      scf.if %cond3A_47 {
        %dma_wait3A_91 = arith.constant 0 : i32
        %dma_wait3A_92 = arith.constant 0 : i32
        %dma_wait3A_93 = arith.constant 0 : i32
        %dma_wait3A_94 = arith.constant 0 : i32
        %dma_wait3A_95 = tpu.memref_slice %arg7[%dma_wait3A_91, %dma_wait3A_92, %dma_wait3A_93, %dma_wait3A_94] : memref<2x1x64x128xf32, #tpu.memory_space<vmem>> -> memref<1x1x64x128xf32, #tpu.memory_space<vmem>>
        %dma_wait3A_96 = tpu.memref_squeeze %dma_wait3A_95 : memref<1x1x64x128xf32, #tpu.memory_space<vmem>> -> memref<1x64x128xf32, #tpu.memory_space<vmem>>
        %dma_wait3A_97 = arith.constant 0 : i32
        %dma_wait3A_98 = arith.constant 0 : i32
        %dma_wait3A_99 = tpu.memref_slice %arg4[%dma_wait3A_97, %dma_wait3A_98, %multiple_of3A] : memref<200x64x4096xf32, #tpu.memory_space<hbm>> -> memref<1x64x128xf32, #tpu.memory_space<hbm>>
        %dma_wait3A_100 = arith.constant 0 : i32
        %dma_wait3A_101 = arith.constant 0 : i32
        %dma_wait3A_102 = tpu.memref_slice %arg4[%dma_wait3A_100, %dma_wait3A_101, %multiple_of3A] : memref<200x64x4096xf32, #tpu.memory_space<hbm>> -> memref<1x64x128xf32, #tpu.memory_space<hbm>>
        %dma_wait3A_103 = arith.constant 0 : i32
        %dma_wait3A_104 = arith.constant 0 : i32
        %dma_wait3A_105 = arith.constant 0 : i32
        %dma_wait3A_106 = tpu.memref_slice %arg7[%dma_wait3A_91, %dma_wait3A_103, %dma_wait3A_104, %dma_wait3A_105] : memref<2x1x64x128xf32, #tpu.memory_space<vmem>> -> memref<1x1x64x128xf32, #tpu.memory_space<vmem>>
        %dma_wait3A_107 = tpu.memref_squeeze %dma_wait3A_106 : memref<1x1x64x128xf32, #tpu.memory_space<vmem>> -> memref<1x64x128xf32, #tpu.memory_space<vmem>>
        tpu.wait_dma2 semaphore(%arg8 : memref<!tpu.dma_semaphore, #tpu.memory_space<semaphore_mem>>) src(%dma_wait3A_107 : memref<1x64x128xf32, #tpu.memory_space<vmem>>) dst(%dma_wait3A_102 : memref<1x64x128xf32, #tpu.memory_space<hbm>>)
      } else {
      }
      %parallel_loop3A = arith.constant 0 : i32
      %parallel_loop3A_48 = arith.constant 128 : i32
      %parallel_loop3A_49 = arith.constant 1 : i32
      scf.for %parallel_loop3A_91 = %parallel_loop3A to %parallel_loop3A_48 step %parallel_loop3A_49  : i32 {
        %parallel_loop3A_92 = arith.constant 4 : i32
        %parallel_loop3A_93 = arith.shrui %parallel_loop3A_91, %parallel_loop3A_92 : i32
        %parallel_loop3A_94 = arith.constant 15 : i32
        %parallel_loop3A_95 = arith.andi %parallel_loop3A_91, %parallel_loop3A_94 : i32
        %parallel_loop3A_96 = arith.constant 16 : i32
        %parallel_loop3A_97 = arith.muli %parallel_loop3A_93, %parallel_loop3A_96 : i32
        %parallel_loop3A_98 = arith.index_cast %add3A_45 : i32 to index
        %parallel_loop3A_99 = arith.index_cast %parallel_loop3A_97 : i32 to index
        %parallel_loop3A_100 = tpu.vector_load %arg6[%parallel_loop3A_98, %parallel_loop3A_99] {strides = array<i32>} : memref<200x128xi32, #tpu.memory_space<vmem>>, vector<16xi32>,
        %parallel_loop3A_101 = arith.constant 64 : i32
        %parallel_loop3A_102 = vector.broadcast %parallel_loop3A_101 : i32 to vector<16xi32>
        %parallel_loop3A_103 = arith.muli %parallel_loop3A_100, %parallel_loop3A_102 : vector<16xi32>
        %parallel_loop3A_104 = vector.broadcast %parallel_loop3A_97 : i32 to vector<16xi32>
        %parallel_loop3A_105 = arith.addi %iota3A, %parallel_loop3A_104 : vector<16xi32>
        %parallel_loop3A_106 = vector.broadcast %parallel_loop3A_95 : i32 to vector<16xi32>
        %parallel_loop3A_107 = arith.addi %iota3A, %parallel_loop3A_106 : vector<16xi32>
        %parallel_loop3A_108 = arith.constant 15 : i32
        %parallel_loop3A_109 = vector.broadcast %parallel_loop3A_108 : i32 to vector<16xi32>
        %parallel_loop3A_110 = arith.andi %parallel_loop3A_107, %parallel_loop3A_109 : vector<16xi32>
        %parallel_loop3A_111 = arith.addi %parallel_loop3A_103, %parallel_loop3A_110 : vector<16xi32>
        %parallel_loop3A_112 = arith.constant 0 : i32
        %parallel_loop3A_113 = vector.broadcast %parallel_loop3A_112 : i32 to vector<16xi32>
        %parallel_loop3A_114 = arith.addi %parallel_loop3A_111, %parallel_loop3A_113 : vector<16xi32>
        %parallel_loop3A_115 = tpu.vector_load_idx %arg5[%parallel_loop3A_114] : memref<64000xf32, #tpu.memory_space<vmem>>[vector<16xi32>], vector<16xf32>,
        %parallel_loop3A_116 = arith.constant 0 : i32
        %parallel_loop3A_117 = vector.broadcast %parallel_loop3A_116 : i32 to vector<16xi32>
        %parallel_loop3A_118 = arith.addi %parallel_loop3A_110, %parallel_loop3A_117 : vector<16xi32>
        %parallel_loop3A_119 = arith.constant 0 : i32
        %parallel_loop3A_120 = arith.constant 0 : i32
        %parallel_loop3A_121 = arith.constant 0 : i32
        %parallel_loop3A_122 = arith.constant 0 : i32
        %parallel_loop3A_123 = tpu.memref_slice %arg7[%parallel_loop3A_119, %parallel_loop3A_120, %parallel_loop3A_121, %parallel_loop3A_122] : memref<2x1x64x128xf32, #tpu.memory_space<vmem>> -> memref<1x1x64x128xf32, #tpu.memory_space<vmem>>
        %parallel_loop3A_124 = tpu.memref_squeeze %parallel_loop3A_123 : memref<1x1x64x128xf32, #tpu.memory_space<vmem>> -> memref<64x128xf32, #tpu.memory_space<vmem>>
        tpu.vector_store_idx %parallel_loop3A_124[%parallel_loop3A_118, %parallel_loop3A_105], %parallel_loop3A_115 : memref<64x128xf32, #tpu.memory_space<vmem>>[vector<16xi32>, vector<16xi32>], vector<16xf32>,
        %parallel_loop3A_125 = arith.constant 16 : i32
        %parallel_loop3A_126 = vector.broadcast %parallel_loop3A_125 : i32 to vector<16xi32>
        %parallel_loop3A_127 = arith.addi %parallel_loop3A_111, %parallel_loop3A_126 : vector<16xi32>
        %parallel_loop3A_128 = tpu.vector_load_idx %arg5[%parallel_loop3A_127] : memref<64000xf32, #tpu.memory_space<vmem>>[vector<16xi32>], vector<16xf32>,
        %parallel_loop3A_129 = arith.constant 16 : i32
        %parallel_loop3A_130 = vector.broadcast %parallel_loop3A_129 : i32 to vector<16xi32>
        %parallel_loop3A_131 = arith.addi %parallel_loop3A_110, %parallel_loop3A_130 : vector<16xi32>
        %parallel_loop3A_132 = arith.constant 0 : i32
        %parallel_loop3A_133 = arith.constant 0 : i32
        %parallel_loop3A_134 = arith.constant 0 : i32
        %parallel_loop3A_135 = arith.constant 0 : i32
        %parallel_loop3A_136 = tpu.memref_slice %arg7[%parallel_loop3A_132, %parallel_loop3A_133, %parallel_loop3A_134, %parallel_loop3A_135] : memref<2x1x64x128xf32, #tpu.memory_space<vmem>> -> memref<1x1x64x128xf32, #tpu.memory_space<vmem>>
        %parallel_loop3A_137 = tpu.memref_squeeze %parallel_loop3A_136 : memref<1x1x64x128xf32, #tpu.memory_space<vmem>> -> memref<64x128xf32, #tpu.memory_space<vmem>>
        tpu.vector_store_idx %parallel_loop3A_137[%parallel_loop3A_131, %parallel_loop3A_105], %parallel_loop3A_128 : memref<64x128xf32, #tpu.memory_space<vmem>>[vector<16xi32>, vector<16xi32>], vector<16xf32>,
        %parallel_loop3A_138 = arith.constant 32 : i32
        %parallel_loop3A_139 = vector.broadcast %parallel_loop3A_138 : i32 to vector<16xi32>
        %parallel_loop3A_140 = arith.addi %parallel_loop3A_111, %parallel_loop3A_139 : vector<16xi32>
        %parallel_loop3A_141 = tpu.vector_load_idx %arg5[%parallel_loop3A_140] : memref<64000xf32, #tpu.memory_space<vmem>>[vector<16xi32>], vector<16xf32>,
        %parallel_loop3A_142 = arith.constant 32 : i32
        %parallel_loop3A_143 = vector.broadcast %parallel_loop3A_142 : i32 to vector<16xi32>
        %parallel_loop3A_144 = arith.addi %parallel_loop3A_110, %parallel_loop3A_143 : vector<16xi32>
        %parallel_loop3A_145 = arith.constant 0 : i32
        %parallel_loop3A_146 = arith.constant 0 : i32
        %parallel_loop3A_147 = arith.constant 0 : i32
        %parallel_loop3A_148 = arith.constant 0 : i32
        %parallel_loop3A_149 = tpu.memref_slice %arg7[%parallel_loop3A_145, %parallel_loop3A_146, %parallel_loop3A_147, %parallel_loop3A_148] : memref<2x1x64x128xf32, #tpu.memory_space<vmem>> -> memref<1x1x64x128xf32, #tpu.memory_space<vmem>>
        %parallel_loop3A_150 = tpu.memref_squeeze %parallel_loop3A_149 : memref<1x1x64x128xf32, #tpu.memory_space<vmem>> -> memref<64x128xf32, #tpu.memory_space<vmem>>
        tpu.vector_store_idx %parallel_loop3A_150[%parallel_loop3A_144, %parallel_loop3A_105], %parallel_loop3A_141 : memref<64x128xf32, #tpu.memory_space<vmem>>[vector<16xi32>, vector<16xi32>], vector<16xf32>,
        %parallel_loop3A_151 = arith.constant 48 : i32
        %parallel_loop3A_152 = vector.broadcast %parallel_loop3A_151 : i32 to vector<16xi32>
        %parallel_loop3A_153 = arith.addi %parallel_loop3A_111, %parallel_loop3A_152 : vector<16xi32>
        %parallel_loop3A_154 = tpu.vector_load_idx %arg5[%parallel_loop3A_153] : memref<64000xf32, #tpu.memory_space<vmem>>[vector<16xi32>], vector<16xf32>,
        %parallel_loop3A_155 = arith.constant 48 : i32
        %parallel_loop3A_156 = vector.broadcast %parallel_loop3A_155 : i32 to vector<16xi32>
        %parallel_loop3A_157 = arith.addi %parallel_loop3A_110, %parallel_loop3A_156 : vector<16xi32>
        %parallel_loop3A_158 = arith.constant 0 : i32
        %parallel_loop3A_159 = arith.constant 0 : i32
        %parallel_loop3A_160 = arith.constant 0 : i32
        %parallel_loop3A_161 = arith.constant 0 : i32
        %parallel_loop3A_162 = tpu.memref_slice %arg7[%parallel_loop3A_158, %parallel_loop3A_159, %parallel_loop3A_160, %parallel_loop3A_161] : memref<2x1x64x128xf32, #tpu.memory_space<vmem>> -> memref<1x1x64x128xf32, #tpu.memory_space<vmem>>
        %parallel_loop3A_163 = tpu.memref_squeeze %parallel_loop3A_162 : memref<1x1x64x128xf32, #tpu.memory_space<vmem>> -> memref<64x128xf32, #tpu.memory_space<vmem>>
        tpu.vector_store_idx %parallel_loop3A_163[%parallel_loop3A_157, %parallel_loop3A_105], %parallel_loop3A_154 : memref<64x128xf32, #tpu.memory_space<vmem>>[vector<16xi32>, vector<16xi32>], vector<16xf32>,
      } {sc.loop_unroll_factor = 4 : i64, sc.parallel_access}
      %dma_start3A = arith.constant 0 : i32
      %dma_start3A_50 = arith.constant 0 : i32
      %dma_start3A_51 = arith.constant 0 : i32
      %dma_start3A_52 = arith.constant 0 : i32
      %dma_start3A_53 = tpu.memref_slice %arg7[%dma_start3A, %dma_start3A_50, %dma_start3A_51, %dma_start3A_52] : memref<2x1x64x128xf32, #tpu.memory_space<vmem>> -> memref<1x1x64x128xf32, #tpu.memory_space<vmem>>
      %dma_start3A_54 = tpu.memref_squeeze %dma_start3A_53 : memref<1x1x64x128xf32, #tpu.memory_space<vmem>> -> memref<1x64x128xf32, #tpu.memory_space<vmem>>
      %dma_start3A_55 = arith.constant 0 : i32
      %dma_start3A_56 = tpu.memref_slice %arg4[%add3A_45, %dma_start3A_55, %multiple_of3A] : memref<200x64x4096xf32, #tpu.memory_space<hbm>> -> memref<1x64x128xf32, #tpu.memory_space<hbm>>
      %dma_start3A_57 = arith.constant 0 : i32
      %dma_start3A_58 = tpu.memref_slice %arg4[%add3A_45, %dma_start3A_57, %multiple_of3A] : memref<200x64x4096xf32, #tpu.memory_space<hbm>> -> memref<1x64x128xf32, #tpu.memory_space<hbm>>
      %dma_start3A_59 = arith.constant 0 : i32
      %dma_start3A_60 = arith.constant 0 : i32
      %dma_start3A_61 = arith.constant 0 : i32
      %dma_start3A_62 = tpu.memref_slice %arg7[%dma_start3A, %dma_start3A_59, %dma_start3A_60, %dma_start3A_61] : memref<2x1x64x128xf32, #tpu.memory_space<vmem>> -> memref<1x1x64x128xf32, #tpu.memory_space<vmem>>
      %dma_start3A_63 = tpu.memref_squeeze %dma_start3A_62 : memref<1x1x64x128xf32, #tpu.memory_space<vmem>> -> memref<1x64x128xf32, #tpu.memory_space<vmem>>
      tpu.enqueue_dma source(%dma_start3A_63 : memref<1x64x128xf32, #tpu.memory_space<vmem>>) target(%dma_start3A_58 : memref<1x64x128xf32, #tpu.memory_space<hbm>>) target_semaphore(%arg8 : memref<!tpu.dma_semaphore, #tpu.memory_space<semaphore_mem>>)
      %mul3A_64 = arith.constant 2 : i32
      %mul3A_65 = arith.muli %mul3A_64, %scan3A_41 : i32
      %add3A_66 = arith.constant 1 : i32
      %add3A_67 = arith.addi %mul3A_65, %add3A_66 : i32
      %gt3A_68 = arith.constant 0 : i32
      %gt3A_69 = arith.cmpi sgt, %scan3A_41, %gt3A_68 : i32
      %convert_element_type3A_70 = arith.extui %gt3A_69 : i1 to i32
      %cond3A_71 = arith.constant 0 : i32
      %cond3A_72 = arith.cmpi ne, %convert_element_type3A_70, %cond3A_71 : i32
      scf.if %cond3A_72 {
        %dma_wait3A_91 = arith.constant 1 : i32
        %dma_wait3A_92 = arith.constant 0 : i32
        %dma_wait3A_93 = arith.constant 0 : i32
        %dma_wait3A_94 = arith.constant 0 : i32
        %dma_wait3A_95 = tpu.memref_slice %arg7[%dma_wait3A_91, %dma_wait3A_92, %dma_wait3A_93, %dma_wait3A_94] : memref<2x1x64x128xf32, #tpu.memory_space<vmem>> -> memref<1x1x64x128xf32, #tpu.memory_space<vmem>>
        %dma_wait3A_96 = tpu.memref_squeeze %dma_wait3A_95 : memref<1x1x64x128xf32, #tpu.memory_space<vmem>> -> memref<1x64x128xf32, #tpu.memory_space<vmem>>
        %dma_wait3A_97 = arith.constant 0 : i32
        %dma_wait3A_98 = arith.constant 0 : i32
        %dma_wait3A_99 = tpu.memref_slice %arg4[%dma_wait3A_97, %dma_wait3A_98, %multiple_of3A] : memref<200x64x4096xf32, #tpu.memory_space<hbm>> -> memref<1x64x128xf32, #tpu.memory_space<hbm>>
        %dma_wait3A_100 = arith.constant 0 : i32
        %dma_wait3A_101 = arith.constant 0 : i32
        %dma_wait3A_102 = tpu.memref_slice %arg4[%dma_wait3A_100, %dma_wait3A_101, %multiple_of3A] : memref<200x64x4096xf32, #tpu.memory_space<hbm>> -> memref<1x64x128xf32, #tpu.memory_space<hbm>>
        %dma_wait3A_103 = arith.constant 0 : i32
        %dma_wait3A_104 = arith.constant 0 : i32
        %dma_wait3A_105 = arith.constant 0 : i32
        %dma_wait3A_106 = tpu.memref_slice %arg7[%dma_wait3A_91, %dma_wait3A_103, %dma_wait3A_104, %dma_wait3A_105] : memref<2x1x64x128xf32, #tpu.memory_space<vmem>> -> memref<1x1x64x128xf32, #tpu.memory_space<vmem>>
        %dma_wait3A_107 = tpu.memref_squeeze %dma_wait3A_106 : memref<1x1x64x128xf32, #tpu.memory_space<vmem>> -> memref<1x64x128xf32, #tpu.memory_space<vmem>>
        tpu.wait_dma2 semaphore(%arg9 : memref<!tpu.dma_semaphore, #tpu.memory_space<semaphore_mem>>) src(%dma_wait3A_107 : memref<1x64x128xf32, #tpu.memory_space<vmem>>) dst(%dma_wait3A_102 : memref<1x64x128xf32, #tpu.memory_space<hbm>>)
      } else {
      }
      %parallel_loop3A_73 = arith.constant 0 : i32
      %parallel_loop3A_74 = arith.constant 128 : i32
      %parallel_loop3A_75 = arith.constant 1 : i32
      scf.for %parallel_loop3A_91 = %parallel_loop3A_73 to %parallel_loop3A_74 step %parallel_loop3A_75  : i32 {
        %parallel_loop3A_92 = arith.constant 4 : i32
        %parallel_loop3A_93 = arith.shrui %parallel_loop3A_91, %parallel_loop3A_92 : i32
        %parallel_loop3A_94 = arith.constant 15 : i32
        %parallel_loop3A_95 = arith.andi %parallel_loop3A_91, %parallel_loop3A_94 : i32
        %parallel_loop3A_96 = arith.constant 16 : i32
        %parallel_loop3A_97 = arith.muli %parallel_loop3A_93, %parallel_loop3A_96 : i32
        %parallel_loop3A_98 = arith.index_cast %add3A_67 : i32 to index
        %parallel_loop3A_99 = arith.index_cast %parallel_loop3A_97 : i32 to index
        %parallel_loop3A_100 = tpu.vector_load %arg6[%parallel_loop3A_98, %parallel_loop3A_99] {strides = array<i32>} : memref<200x128xi32, #tpu.memory_space<vmem>>, vector<16xi32>,
        %parallel_loop3A_101 = arith.constant 64 : i32
        %parallel_loop3A_102 = vector.broadcast %parallel_loop3A_101 : i32 to vector<16xi32>
        %parallel_loop3A_103 = arith.muli %parallel_loop3A_100, %parallel_loop3A_102 : vector<16xi32>
        %parallel_loop3A_104 = vector.broadcast %parallel_loop3A_97 : i32 to vector<16xi32>
        %parallel_loop3A_105 = arith.addi %iota3A, %parallel_loop3A_104 : vector<16xi32>
        %parallel_loop3A_106 = vector.broadcast %parallel_loop3A_95 : i32 to vector<16xi32>
        %parallel_loop3A_107 = arith.addi %iota3A, %parallel_loop3A_106 : vector<16xi32>
        %parallel_loop3A_108 = arith.constant 15 : i32
        %parallel_loop3A_109 = vector.broadcast %parallel_loop3A_108 : i32 to vector<16xi32>
        %parallel_loop3A_110 = arith.andi %parallel_loop3A_107, %parallel_loop3A_109 : vector<16xi32>
        %parallel_loop3A_111 = arith.addi %parallel_loop3A_103, %parallel_loop3A_110 : vector<16xi32>
        %parallel_loop3A_112 = arith.constant 0 : i32
        %parallel_loop3A_113 = vector.broadcast %parallel_loop3A_112 : i32 to vector<16xi32>
        %parallel_loop3A_114 = arith.addi %parallel_loop3A_111, %parallel_loop3A_113 : vector<16xi32>
        %parallel_loop3A_115 = tpu.vector_load_idx %arg5[%parallel_loop3A_114] : memref<64000xf32, #tpu.memory_space<vmem>>[vector<16xi32>], vector<16xf32>,
        %parallel_loop3A_116 = arith.constant 0 : i32
        %parallel_loop3A_117 = vector.broadcast %parallel_loop3A_116 : i32 to vector<16xi32>
        %parallel_loop3A_118 = arith.addi %parallel_loop3A_110, %parallel_loop3A_117 : vector<16xi32>
        %parallel_loop3A_119 = arith.constant 1 : i32
        %parallel_loop3A_120 = arith.constant 0 : i32
        %parallel_loop3A_121 = arith.constant 0 : i32
        %parallel_loop3A_122 = arith.constant 0 : i32
        %parallel_loop3A_123 = tpu.memref_slice %arg7[%parallel_loop3A_119, %parallel_loop3A_120, %parallel_loop3A_121, %parallel_loop3A_122] : memref<2x1x64x128xf32, #tpu.memory_space<vmem>> -> memref<1x1x64x128xf32, #tpu.memory_space<vmem>>
        %parallel_loop3A_124 = tpu.memref_squeeze %parallel_loop3A_123 : memref<1x1x64x128xf32, #tpu.memory_space<vmem>> -> memref<64x128xf32, #tpu.memory_space<vmem>>
        tpu.vector_store_idx %parallel_loop3A_124[%parallel_loop3A_118, %parallel_loop3A_105], %parallel_loop3A_115 : memref<64x128xf32, #tpu.memory_space<vmem>>[vector<16xi32>, vector<16xi32>], vector<16xf32>,
        %parallel_loop3A_125 = arith.constant 16 : i32
        %parallel_loop3A_126 = vector.broadcast %parallel_loop3A_125 : i32 to vector<16xi32>
        %parallel_loop3A_127 = arith.addi %parallel_loop3A_111, %parallel_loop3A_126 : vector<16xi32>
        %parallel_loop3A_128 = tpu.vector_load_idx %arg5[%parallel_loop3A_127] : memref<64000xf32, #tpu.memory_space<vmem>>[vector<16xi32>], vector<16xf32>,
        %parallel_loop3A_129 = arith.constant 16 : i32
        %parallel_loop3A_130 = vector.broadcast %parallel_loop3A_129 : i32 to vector<16xi32>
        %parallel_loop3A_131 = arith.addi %parallel_loop3A_110, %parallel_loop3A_130 : vector<16xi32>
        %parallel_loop3A_132 = arith.constant 1 : i32
        %parallel_loop3A_133 = arith.constant 0 : i32
        %parallel_loop3A_134 = arith.constant 0 : i32
        %parallel_loop3A_135 = arith.constant 0 : i32
        %parallel_loop3A_136 = tpu.memref_slice %arg7[%parallel_loop3A_132, %parallel_loop3A_133, %parallel_loop3A_134, %parallel_loop3A_135] : memref<2x1x64x128xf32, #tpu.memory_space<vmem>> -> memref<1x1x64x128xf32, #tpu.memory_space<vmem>>
        %parallel_loop3A_137 = tpu.memref_squeeze %parallel_loop3A_136 : memref<1x1x64x128xf32, #tpu.memory_space<vmem>> -> memref<64x128xf32, #tpu.memory_space<vmem>>
        tpu.vector_store_idx %parallel_loop3A_137[%parallel_loop3A_131, %parallel_loop3A_105], %parallel_loop3A_128 : memref<64x128xf32, #tpu.memory_space<vmem>>[vector<16xi32>, vector<16xi32>], vector<16xf32>,
        %parallel_loop3A_138 = arith.constant 32 : i32
        %parallel_loop3A_139 = vector.broadcast %parallel_loop3A_138 : i32 to vector<16xi32>
        %parallel_loop3A_140 = arith.addi %parallel_loop3A_111, %parallel_loop3A_139 : vector<16xi32>
        %parallel_loop3A_141 = tpu.vector_load_idx %arg5[%parallel_loop3A_140] : memref<64000xf32, #tpu.memory_space<vmem>>[vector<16xi32>], vector<16xf32>,
        %parallel_loop3A_142 = arith.constant 32 : i32
        %parallel_loop3A_143 = vector.broadcast %parallel_loop3A_142 : i32 to vector<16xi32>
        %parallel_loop3A_144 = arith.addi %parallel_loop3A_110, %parallel_loop3A_143 : vector<16xi32>
        %parallel_loop3A_145 = arith.constant 1 : i32
        %parallel_loop3A_146 = arith.constant 0 : i32
        %parallel_loop3A_147 = arith.constant 0 : i32
        %parallel_loop3A_148 = arith.constant 0 : i32
        %parallel_loop3A_149 = tpu.memref_slice %arg7[%parallel_loop3A_145, %parallel_loop3A_146, %parallel_loop3A_147, %parallel_loop3A_148] : memref<2x1x64x128xf32, #tpu.memory_space<vmem>> -> memref<1x1x64x128xf32, #tpu.memory_space<vmem>>
        %parallel_loop3A_150 = tpu.memref_squeeze %parallel_loop3A_149 : memref<1x1x64x128xf32, #tpu.memory_space<vmem>> -> memref<64x128xf32, #tpu.memory_space<vmem>>
        tpu.vector_store_idx %parallel_loop3A_150[%parallel_loop3A_144, %parallel_loop3A_105], %parallel_loop3A_141 : memref<64x128xf32, #tpu.memory_space<vmem>>[vector<16xi32>, vector<16xi32>], vector<16xf32>,
        %parallel_loop3A_151 = arith.constant 48 : i32
        %parallel_loop3A_152 = vector.broadcast %parallel_loop3A_151 : i32 to vector<16xi32>
        %parallel_loop3A_153 = arith.addi %parallel_loop3A_111, %parallel_loop3A_152 : vector<16xi32>
        %parallel_loop3A_154 = tpu.vector_load_idx %arg5[%parallel_loop3A_153] : memref<64000xf32, #tpu.memory_space<vmem>>[vector<16xi32>], vector<16xf32>,
        %parallel_loop3A_155 = arith.constant 48 : i32
        %parallel_loop3A_156 = vector.broadcast %parallel_loop3A_155 : i32 to vector<16xi32>
        %parallel_loop3A_157 = arith.addi %parallel_loop3A_110, %parallel_loop3A_156 : vector<16xi32>
        %parallel_loop3A_158 = arith.constant 1 : i32
        %parallel_loop3A_159 = arith.constant 0 : i32
        %parallel_loop3A_160 = arith.constant 0 : i32
        %parallel_loop3A_161 = arith.constant 0 : i32
        %parallel_loop3A_162 = tpu.memref_slice %arg7[%parallel_loop3A_158, %parallel_loop3A_159, %parallel_loop3A_160, %parallel_loop3A_161] : memref<2x1x64x128xf32, #tpu.memory_space<vmem>> -> memref<1x1x64x128xf32, #tpu.memory_space<vmem>>
        %parallel_loop3A_163 = tpu.memref_squeeze %parallel_loop3A_162 : memref<1x1x64x128xf32, #tpu.memory_space<vmem>> -> memref<64x128xf32, #tpu.memory_space<vmem>>
        tpu.vector_store_idx %parallel_loop3A_163[%parallel_loop3A_157, %parallel_loop3A_105], %parallel_loop3A_154 : memref<64x128xf32, #tpu.memory_space<vmem>>[vector<16xi32>, vector<16xi32>], vector<16xf32>,
      } {sc.loop_unroll_factor = 4 : i64, sc.parallel_access}
      %dma_start3A_76 = arith.constant 1 : i32
      %dma_start3A_77 = arith.constant 0 : i32
      %dma_start3A_78 = arith.constant 0 : i32
      %dma_start3A_79 = arith.constant 0 : i32
      %dma_start3A_80 = tpu.memref_slice %arg7[%dma_start3A_76, %dma_start3A_77, %dma_start3A_78, %dma_start3A_79] : memref<2x1x64x128xf32, #tpu.memory_space<vmem>> -> memref<1x1x64x128xf32, #tpu.memory_space<vmem>>
      %dma_start3A_81 = tpu.memref_squeeze %dma_start3A_80 : memref<1x1x64x128xf32, #tpu.memory_space<vmem>> -> memref<1x64x128xf32, #tpu.memory_space<vmem>>
      %dma_start3A_82 = arith.constant 0 : i32
      %dma_start3A_83 = tpu.memref_slice %arg4[%add3A_67, %dma_start3A_82, %multiple_of3A] : memref<200x64x4096xf32, #tpu.memory_space<hbm>> -> memref<1x64x128xf32, #tpu.memory_space<hbm>>
      %dma_start3A_84 = arith.constant 0 : i32
      %dma_start3A_85 = tpu.memref_slice %arg4[%add3A_67, %dma_start3A_84, %multiple_of3A] : memref<200x64x4096xf32, #tpu.memory_space<hbm>> -> memref<1x64x128xf32, #tpu.memory_space<hbm>>
      %dma_start3A_86 = arith.constant 0 : i32
      %dma_start3A_87 = arith.constant 0 : i32
      %dma_start3A_88 = arith.constant 0 : i32
      %dma_start3A_89 = tpu.memref_slice %arg7[%dma_start3A_76, %dma_start3A_86, %dma_start3A_87, %dma_start3A_88] : memref<2x1x64x128xf32, #tpu.memory_space<vmem>> -> memref<1x1x64x128xf32, #tpu.memory_space<vmem>>
      %dma_start3A_90 = tpu.memref_squeeze %dma_start3A_89 : memref<1x1x64x128xf32, #tpu.memory_space<vmem>> -> memref<1x64x128xf32, #tpu.memory_space<vmem>>
      tpu.enqueue_dma source(%dma_start3A_90 : memref<1x64x128xf32, #tpu.memory_space<vmem>>) target(%dma_start3A_85 : memref<1x64x128xf32, #tpu.memory_space<hbm>>) target_semaphore(%arg9 : memref<!tpu.dma_semaphore, #tpu.memory_space<semaphore_mem>>)
    }
    %scan3A_7 = arith.constant 100 : i32
    %dma_wait3A = arith.constant 0 : i32
    %dma_wait3A_8 = arith.constant 0 : i32
    %dma_wait3A_9 = arith.constant 0 : i32
    %dma_wait3A_10 = arith.constant 0 : i32
    %dma_wait3A_11 = tpu.memref_slice %arg7[%dma_wait3A, %dma_wait3A_8, %dma_wait3A_9, %dma_wait3A_10] : memref<2x1x64x128xf32, #tpu.memory_space<vmem>> -> memref<1x1x64x128xf32, #tpu.memory_space<vmem>>
    %dma_wait3A_12 = tpu.memref_squeeze %dma_wait3A_11 : memref<1x1x64x128xf32, #tpu.memory_space<vmem>> -> memref<1x64x128xf32, #tpu.memory_space<vmem>>
    %dma_wait3A_13 = arith.constant 0 : i32
    %dma_wait3A_14 = arith.constant 0 : i32
    %dma_wait3A_15 = tpu.memref_slice %arg4[%dma_wait3A_13, %dma_wait3A_14, %multiple_of3A] : memref<200x64x4096xf32, #tpu.memory_space<hbm>> -> memref<1x64x128xf32, #tpu.memory_space<hbm>>
    %dma_wait3A_16 = arith.constant 0 : i32
    %dma_wait3A_17 = arith.constant 0 : i32
    %dma_wait3A_18 = tpu.memref_slice %arg4[%dma_wait3A_16, %dma_wait3A_17, %multiple_of3A] : memref<200x64x4096xf32, #tpu.memory_space<hbm>> -> memref<1x64x128xf32, #tpu.memory_space<hbm>>
    %dma_wait3A_19 = arith.constant 0 : i32
    %dma_wait3A_20 = arith.constant 0 : i32
    %dma_wait3A_21 = arith.constant 0 : i32
    %dma_wait3A_22 = tpu.memref_slice %arg7[%dma_wait3A, %dma_wait3A_19, %dma_wait3A_20, %dma_wait3A_21] : memref<2x1x64x128xf32, #tpu.memory_space<vmem>> -> memref<1x1x64x128xf32, #tpu.memory_space<vmem>>
    %dma_wait3A_23 = tpu.memref_squeeze %dma_wait3A_22 : memref<1x1x64x128xf32, #tpu.memory_space<vmem>> -> memref<1x64x128xf32, #tpu.memory_space<vmem>>
    tpu.wait_dma2 semaphore(%arg8 : memref<!tpu.dma_semaphore, #tpu.memory_space<semaphore_mem>>) src(%dma_wait3A_23 : memref<1x64x128xf32, #tpu.memory_space<vmem>>) dst(%dma_wait3A_18 : memref<1x64x128xf32, #tpu.memory_space<hbm>>)
    %dma_wait3A_24 = arith.constant 1 : i32
    %dma_wait3A_25 = arith.constant 0 : i32
    %dma_wait3A_26 = arith.constant 0 : i32
    %dma_wait3A_27 = arith.constant 0 : i32
    %dma_wait3A_28 = tpu.memref_slice %arg7[%dma_wait3A_24, %dma_wait3A_25, %dma_wait3A_26, %dma_wait3A_27] : memref<2x1x64x128xf32, #tpu.memory_space<vmem>> -> memref<1x1x64x128xf32, #tpu.memory_space<vmem>>
    %dma_wait3A_29 = tpu.memref_squeeze %dma_wait3A_28 : memref<1x1x64x128xf32, #tpu.memory_space<vmem>> -> memref<1x64x128xf32, #tpu.memory_space<vmem>>
    %dma_wait3A_30 = arith.constant 0 : i32
    %dma_wait3A_31 = arith.constant 0 : i32
    %dma_wait3A_32 = tpu.memref_slice %arg4[%dma_wait3A_30, %dma_wait3A_31, %multiple_of3A] : memref<200x64x4096xf32, #tpu.memory_space<hbm>> -> memref<1x64x128xf32, #tpu.memory_space<hbm>>
    %dma_wait3A_33 = arith.constant 0 : i32
    %dma_wait3A_34 = arith.constant 0 : i32
    %dma_wait3A_35 = tpu.memref_slice %arg4[%dma_wait3A_33, %dma_wait3A_34, %multiple_of3A] : memref<200x64x4096xf32, #tpu.memory_space<hbm>> -> memref<1x64x128xf32, #tpu.memory_space<hbm>>
    %dma_wait3A_36 = arith.constant 0 : i32
    %dma_wait3A_37 = arith.constant 0 : i32
    %dma_wait3A_38 = arith.constant 0 : i32
    %dma_wait3A_39 = tpu.memref_slice %arg7[%dma_wait3A_24, %dma_wait3A_36, %dma_wait3A_37, %dma_wait3A_38] : memref<2x1x64x128xf32, #tpu.memory_space<vmem>> -> memref<1x1x64x128xf32, #tpu.memory_space<vmem>>
    %dma_wait3A_40 = tpu.memref_squeeze %dma_wait3A_39 : memref<1x1x64x128xf32, #tpu.memory_space<vmem>> -> memref<1x64x128xf32, #tpu.memory_space<vmem>>
    tpu.wait_dma2 semaphore(%arg9 : memref<!tpu.dma_semaphore, #tpu.memory_space<semaphore_mem>>) src(%dma_wait3A_40 : memref<1x64x128xf32, #tpu.memory_space<vmem>>) dst(%dma_wait3A_35 : memref<1x64x128xf32, #tpu.memory_space<hbm>>)
    return
  }
}

</mosaic_0001>

<sc_bundles>
// kernel: kernel.3.cloned.1.call-start
scs
__scs_entry_jumppad:
0x0: {  	(pc) =	sbr.rel $0x88, $3  }
0x1: {  	(tag) =	ssettag $0x0;
	lr =	simm.s32 $0x1  }
0x2: {  	[smem:$0x3F9F] =	sst lr;
	_ =	strace $0xD0000000  }
0x3: {  	_ = 	snop  }
0x4: {  	_ = 	snop  }
0x5: {  	_ = 	snop  }
0x6: {  	_ = 	snop  }
0x7: {  	_ = 	snop  }
__scs_overlays_trampoline_lowered:
0x8: {  	[smem:$0x3FAE] =	sst s0  }
0x9: {  	[smem:$0x3FAF] =	sst s1  }
0xa: {  	[smem:$0x3FB0] =	sst s2  }
0xb: {  	[smem:$0x3FB1] =	sst s3  }
0xc: {  	[smem:$0x3FB2] =	sst s4  }
0xd: {  	[smem:$0x3FB3] =	sst s5  }
0xe: {  	[smem:$0x3FB4] =	sst s6  }
0xf: {  	[smem:$0x3FB5] =	sst s7  }
0x10: {  	[smem:$0x3FB6] =	sst s8  }
0x11: {  	[smem:$0x3FB7] =	sst s9;
	s0 =	simm.s32 @!p0 $0x0  }
0x12: {  	s1 =	sld [smem:$0x3F9D];
	s0 =	simm.s32 @p0 $0x1  }
0x13: {  	[smem:$0x3FB8] =	sst s0;
	s0 =	simm.s32 @!p1 $0x0  }
0x14: {  	s2 =	sld [smem:$0x3F9C];
	s0 =	simm.s32 @p1 $0x1  }
0x15: {  	[smem:$0x3FB9] =	sst s0;
	s0 =	simm.s32 @!p2 $0x0  }
0x16: {  	s3 =	sld [smem:$0x3FDB];
	s0 =	simm.s32 @p2 $0x1  }
0x17: {  	s4 =	simm.s32 $0x1BF5;
	[smem:$0x3FBB] =	sst s0  }
0x18: {  	s0 =	sld [smem:$0x3F9E];
	_ =	swait.ge [sflag:s4], $0x0  }
0x19: {  	s7 =	sld [smem:$0x3F9F]  }
0x1a: {  	s8 =	sadd.s32 $0xFFFFE003, lr  }
0x1b: {  	s9 =	sadd.s32 $0xFFFFFEF7, lr;
	s5 =	simm.s32 $0xFFFFFFFF;
	p2 =	slt.u32 s8, $0xFFFFF086  }
0x1c: {  	p1 =	slt.u32 s9, $0xF7A;
	s5 =	simm.s32 @!p2 $0x0  }
0x1d: {  	s5 =	simm.s32 @p1 $0x1;
	p0 =	seq.s32 s7, s2  }
0x1e: {  	s7 =	smul.u32 @!p0 $0xF7A, s2;
	p2 =	seq.s32 @!p0 s5, $0x0  }
0x1f: {  	s9 =	smul.u32 $0xF7A, s1;
	s8 =	simm.s32 @!p0 $0x1BF5;
	p2 =	por !p2, p0  }
0x20: {  	[sflag:s8] =	ssyncset.s32 @!p0 $0xFFFFF086;
	s6 =	sadd.s32 @!p0 s3, s7;
	s7 =	simm.s32 @!p0 $0x108  }
0x21: {  	s3 =	sadd.s32 s3, s9;
	s6 =	sadd.s32 @!p0 $0x88, s6;
	s7 =	simm.s32 @p2 $0x1082  }
0x22: {  	[simem:s7], [sflag:s8] =	dma.local @!p0 [hbm:s6], $0xF7A  }
0x23: {  	s9 =	sor.u32 $0xD0000000, s2;
	s6 =	simm.s32 $0x108;
	_ =	swait.ge @!p0 [sflag:s8], $0x0  }
0x24: {  	s3 =	sadd.s32 $0x88, s3;
	s6 =	simm.s32 @!p1 $0x1082;
	[sflag:s4] =	ssyncset.s32 $0xFFFFF086  }
0x25: {  	[simem:s6], [sflag:s4] =	dma.local [hbm:s3], $0xF7A  }
0x26: {  	[smem:$0x3F9F] =	sst s1;
	(tag) =	ssettag s2;
	_ =	strace s9  }
0x27: {  	s1 =	sld [smem:$0x3FAF]  }
0x28: {  	s2 =	sld [smem:$0x3FB0]  }
0x29: {  	s4 =	sld [smem:$0x3FB2]  }
0x2a: {  	p0 =	seq.s32 s5, $0x0;
	s5 =	sld [smem:$0x3FB3]  }
0x2b: {  	s6 =	sld [smem:$0x3FB4]  }
0x2c: {  	s7 =	sld [smem:$0x3FB5]  }
0x2d: {  	s3 =	simm.s32 $0x108;
	s8 =	sld [smem:$0x3FB6]  }
0x2e: {  	s3 =	simm.s32 @!p0 $0x1082;
	s9 =	sld [smem:$0x3FB7]  }
0x2f: {  	lr =	sadd.s32 s0, s3;
	s0 =	sld [smem:$0x3FAE]  }
0x30: {  	s3 =	sld [smem:$0x3FB1]  }
0x31: {  	[smem:$0x3FBA] =	sst s10  }
0x32: {  	s10 =	sld [smem:$0x3FB8];
	_ =	sdelay $0x3  }
0x33: {  	p0 =	seq.s32 s10, $0x1;
	s10 =	sld [smem:$0x3FBA];
	_ =	sdelay $0x3  }
0x34: {  	[smem:$0x3FBA] =	sst s10  }
0x35: {  	s10 =	sld [smem:$0x3FB9];
	_ =	sdelay $0x3  }
0x36: {  	p1 =	seq.s32 s10, $0x1;
	s10 =	sld [smem:$0x3FBA];
	_ =	sdelay $0x3  }
0x37: {  	[smem:$0x3FBA] =	sst s10  }
0x38: {  	s10 =	sld [smem:$0x3FBB]  }
0x39: {  	_ = 	snop;
	(pc) =	sbr.ind lr, $3  }
0x3a: {  	_ = 	snop  }
0x3b: {  	_ = 	snop  }
0x3c: {  	p2 =	seq.s32 s10, $0x1;
	s10 =	sld [smem:$0x3FBA]  }
0x3d: {  	_ =	shalt  }
0x3e: {  	_ =	shalt  }
0x3f: {  	_ =	shalt  }
0x40: {  	_ =	shalt  }
0x41: {  	_ =	shalt  }
0x42: {  	_ =	shalt  }
0x43: {  	_ =	shalt  }
0x44: {  	_ =	shalt  }
0x45: {  	_ =	shalt  }
0x46: {  	_ =	shalt  }
0x47: {  	_ =	shalt  }
0x48: {  	_ =	shalt  }
0x49: {  	_ =	shalt  }
0x4a: {  	_ =	shalt  }
0x4b: {  	_ =	shalt  }
0x4c: {  	_ =	shalt  }
0x4d: {  	_ =	shalt  }
0x4e: {  	_ =	shalt  }
0x4f: {  	_ =	shalt  }
0x50: {  	_ =	shalt  }
0x51: {  	_ =	shalt  }
0x52: {  	_ =	shalt  }
0x53: {  	_ =	shalt  }
0x54: {  	_ =	shalt  }
0x55: {  	_ =	shalt  }
0x56: {  	_ =	shalt  }
0x57: {  	_ =	shalt  }
0x58: {  	_ =	shalt  }
0x59: {  	_ =	shalt  }
0x5a: {  	_ =	shalt  }
0x5b: {  	_ =	shalt  }
0x5c: {  	_ =	shalt  }
0x5d: {  	_ =	shalt  }
0x5e: {  	_ =	shalt  }
0x5f: {  	_ =	shalt  }
0x60: {  	_ =	shalt  }
0x61: {  	_ =	shalt  }
0x62: {  	_ =	shalt  }
0x63: {  	_ =	shalt  }
0x64: {  	_ =	shalt  }
0x65: {  	_ =	shalt  }
0x66: {  	_ =	shalt  }
0x67: {  	_ =	shalt  }
0x68: {  	_ =	shalt  }
0x69: {  	_ =	shalt  }
0x6a: {  	_ =	shalt  }
0x6b: {  	_ =	shalt  }
0x6c: {  	_ =	shalt  }
0x6d: {  	_ =	shalt  }
0x6e: {  	_ =	shalt  }
0x6f: {  	_ =	shalt  }
0x70: {  	_ =	shalt  }
0x71: {  	_ =	shalt  }
0x72: {  	_ =	shalt  }
0x73: {  	_ =	shalt  }
0x74: {  	_ =	shalt  }
0x75: {  	_ =	shalt  }
0x76: {  	_ =	shalt  }
0x77: {  	_ =	shalt  }
0x78: {  	_ =	shalt  }
0x79: {  	_ =	shalt  }
0x7a: {  	_ =	shalt  }
0x7b: {  	_ =	shalt  }
0x7c: {  	_ =	shalt  }
0x7d: {  	_ =	shalt  }
0x7e: {  	_ =	shalt  }
0x7f: {  	_ =	shalt  }
0x80: {  	_ =	shalt  }
0x81: {  	_ =	shalt  }
0x82: {  	_ =	shalt  }
0x83: {  	_ =	shalt  }
0x84: {  	_ =	shalt  }
0x85: {  	_ =	shalt  }
0x86: {  	_ =	shalt  }
0x87: {  	_ =	shalt  }
.Lfunc_end0:
.L_simem_size_0:
called_computation_lowered:
.L_overlay_start_0:
0x88: {  	s2 =	sld [smem:$0x3FD9]  }
0x89: {  	s3 =	sld [smem:$0x3FFE];
	_ =	sdelay $0x1  }
0x8a: {  	s1 =	srdreg.scid  }
0x8b: {  	s0 =	sand.u32 $0x1, s1  }
0x8c: {  	s17 =	sshll.u32 s0, $0xA;
	s2 =	sadd.s32 s3, s2  }
0x8d: {  	s2 =	sadd.s32 s2, s17  }
0x8e: {  	[smem:$0x3FC6] =	sst s2  }
0x8f: {  	_ = 	snop  }
0x90: {  	s2 =	sld [smem:$0x3FC9]  }
0x91: {  	s18 =	sld [smem:$0x3FD0];
	(tm) =	ssettm $0x1  }
0x92: {  	s4 =	sld [smem:$0x3FFB];
	_ =	sdelay $0x3  }
0x93: {  	_ =	strace s4  }
0x94: {  	s4 =	sld [smem:$0x3FFC];
	_ =	sdelay $0x3  }
0x95: {  	_ =	strace s4  }
0x96: {  	s4 =	sld [smem:$0x3FFD];
	_ =	sdelay $0x3  }
0x97: {  	_ =	strace s4  }
0x98: {  	_ =	strace $0x8FFFFFFF  }
0x99: {  	s19 =	sld [smem:$0x3FDB];
	_ =	sdelay $0x1  }
0x9a: {  	s5 =	simm.s32 $_scs_section_size  }
0x9b: {  	s6 =	simm.s32 $_size__tile_overlayer_lowered;
	s7 =	simm.s32 $_tile_overlayer_lowered  }
0x9c: {  	s22 =	simm.s32 $0x1BFF;
	s21 =	sshll.u32 s7, $0x1;
	s4 =	sadd.s32 s5, s19  }
0x9d: {  	s8 =	simm.s32 $0x0;
	s20 =	sshll.u32 s6, $0x1;
	s6 =	sadd.s32 s21, s4  }
0x9e: {  	[timem:s8], [sflag:s22] =	dma.local [hbm:s6], s20  }
0x9f: {  	_ =	swait.ge [sflag:s22], s20  }
0xa0: {  	s5 =	ssub.s32 $0x0, s20;
	[sflag:s22] =	ssyncset.done $0x0  }
0xa1: {  	[sflag:s22] =	ssyncadd.s32 s5;
	_ =	sdelay $0x1  }
0xa2: {  	s23 =	simm.s32 $0x1B8B  }
0xa3: {  	_ =	swait.ge [sflag:s23], $0x1  }
0xa4: {  	[sflag:s23] =	ssyncset.done $0x0  }
0xa5: {  	s25 =	simm.s32 $0x1B8E;
	s24 =	sld [smem:$0x3FFE];
	[sflag:s23] =	ssyncadd.s32 $0xFFFFFFFF  }
0xa6: {  	s26 =	simm.s32 $execute0_lowered;
	[smem:$0x3FD2] =	sst s25  }
0xa7: {  	s6 =	sshll.u32 s26, $0x1;
	_ =	strace $0x80000046;
	[dreg:$0x1] =	wrdreg $0xFFFFFFFF  }
0xa8: {  	s28 =	simm.s32 $_size_execute0_lowered;
	s4 =	sadd.s32 s4, s6;
	[dreg:$0x0] =	wrdreg $0x0  }
0xa9: {  	s6 =	sshll.u32 s28, $0x1;
	[dreg:$0x2] =	wrdreg s4  }
0xaa: {  	[dreg:$0x3] =	wrdreg s6  }
0xab: {  	[dreg:$0x4] =	wrdreg $0xC0  }
0xac: {  	_ =	task [dreg:s8], $0x5FFFF  }
0xad: {  	[dreg:$0x1] =	wrdreg $0xFFFFFFFF  }
0xae: {  	[dreg:$0x0] =	wrdreg $0x60  }
0xaf: {  	[dreg:$0x2] =	wrdreg s2  }
0xb0: {  	[dreg:$0x3] =	wrdreg s24  }
0xb1: {  	[dreg:$0x4] =	wrdreg s18  }
0xb2: {  	[dreg:$0x5] =	wrdreg $0x9  }
0xb3: {  	_ =	task.clear_ibuf [dreg:s8], $0x6FFFF;
	_ =	strace $0x90000046  }
0xb4: {  	s29 =	simm.s32 $0x9;
	_ =	strace $0x80000048  }
0xb5: {  	_ =	swait.ge [sflag:s29], $0x1  }
0xb6: {  	[sflag:s29] =	ssyncadd.s32 $0xFFFFFFFF  }
0xb7: {  	_ =	strace $0x90000048  }
0xb8: {  	_ =	sfence  }
0xb9: {  	s30 =	sld [smem:$0x0];
	_ =	sdelay $0x2  }
0xba: {  	s31 =	sshll.u32 s1, $0xD;
	s1 =	sshrl.u32 s1, $0x2  }
0xbb: {  	s3 =	sand.u32 $0x4000, s31;
	s1 =	sadd.s32 s1, s30  }
0xbc: {  	s0 =	sor.u32 s3, s0;
	s1 =	sshll.u32 s1, $0x11  }
0xbd: {  	s0 =	sor.u32 s1, s0  }
0xbe: {  	s0 =	sadd.s32 $0x8F2B, s0  }
0xbf: {  	[sflag:s0] =	ssyncadd.remote.s32 $0x1  }
0xc0: {  	_ =	sfence.sel $0xFFFF  }
0xc1: {  	[dreg:$0x0] =	wrdreg $0xFFFFFFFF;
	(pc) =	sbr.abs _section_cstart, $3  }
0xc2: {  	[dreg:$0x1] =	wrdreg $0xFFFFFFFF  }
0xc3: {  	_ =	task.clear_ibuf [dreg:s8], $0x2FFFF;
	_ =	strace $0x9FFFFFFF  }
0xc4: {  	(tm) =	ssettm $0x7FFFFFFF  }
0xc5: {  	_ =	shalt  }
tec
execute0_lowered:
.L_overlay_start_1:
0x0: {  	(tag) =	ssettag $0x1  }
0x1: {  	s6 =	rddreg [dreg:$0x0]  }
0x2: {  	s5 =	rddreg [dreg:$0x1]  }
0x3: {  	s2 =	rddreg [dreg:$0x2]  }
0x4: {  	s0 =	rddreg [dreg:$0x3];
	s4 =	srdreg.scid  }
0x5: {  	s3 =	simm.s32 $0x0;
	s1 =	stileid.u32;
	s10 =	simm.s32 $0x8000  }
0x6: {  	s11 =	simm.s32 $0xFA00;
	s12 =	simm.s32 $0x15E00;
	s13 =	simm.s32 $0x17E00  }
0x7: {  	s14 =	simm.s32 $0x1;
	s15 =	simm.s32 $0x2;
	s16 =	simm.s32 $0x0  }
0x8: {  	s4 =	sand.u32 $0x1, s4;
	s8 =	sshll.u32 s1, $0xB;
	[smem:$0x7FF] =	sst s3  }
0x9: {  	s5 =	sadd.s32 $0x400, s5;
	s7 =	ssub.s32 $0x2, s4;
	s4 =	sshll.u32 s4, $0xA  }
0xa: {  	_ =	strace $0x80000047;
	s9 =	sshrl.u32 s7, $0x1;
	s4 =	sor.u32 s4, s8  }
0xb: {  	v0 =	vlaneseq.u32;
	s7 =	ssub.s32 s7, s9;
	s8 =	sshrl.u32 s4, $0x3;
	s9 =	simm.s32 $0x400  }
0xc: {  	v1 =	vor.u32 $0x800, v0;
	v2 =	vor.u32 $0x1000, v0;
	v3 =	vor.u32 $0x1800, v0;
	s6 =	sadd.s32 s6, s8;
	s7 =	smax.u32 s7, $0x1;
	s8 =	simm.s32 $0x3  }
.LBB2_1:
0xd: {  	[tilespmem:s3], [sflag:$0x3] =	stream.linear.gather [hbm4b:s5+s3], $0xFA00, $0x38;
	[tilespmem:$0x19E00] =	vst v63  }
0xe: {  	_ =	swait.ge [sflag:s8], $0xFA00  }
0xf: {  	[sflag:s8] =	ssyncset.done $0x0  }
0x10: {  	[sflag:s8] =	ssyncadd.s32 $0xFFFF0600  }
0x11: {  	[tilespmem:s11], [sflag:$0x3] =	stream.strided.gather [hbm4b:s6+s9], $0x6400, s10, s9, $0x38;
	[tilespmem:$0x19E00] =	vst v63  }
0x12: {  	_ =	swait.ge [sflag:s8], $0x6400  }
0x13: {  	[sflag:s8] =	ssyncset.done $0x0  }
0x14: {  	s17 =	simm.s32 $0x0;
	[sflag:s8] =	ssyncadd.s32 $0xFFFF9C00  }
.LBB2_2:
0x15: {  	s18 =	sshll.u32 s17, $0x8  }
0x16: {  	s18 =	sand.u32 $0x3FFFFF00, s18  }
0x17: {  	s18 =	sadd.s32 $0xFA00, s18  }
0x18: {  	p0 =	seq.s32 s17, $0x0;
	s19 =	simm.s32 $0x0;
	v6 =	vmov s18  }
0x19: {  	s21 =	sand.u32 $0x70, s19;
	s29 =	sand.u32 $0xC, s19;
	s18 =	simm.s32 @!p0 $0x1  }
0x1a: {  	s19 =	sor.u32 $0x2, s29;
	s20 =	sor.u32 $0x3, s29;
	v8 =	vadd.s32 s29, v0;
	v33 =	vor.u32 s21, v1;
	_ =	swait.ge @!p0 [sflag:s18], $0x2000  }
0x1b: {  	v47 =	vor.u32 s21, v2;
	v9 =	vadd.s32 s19, v0;
	v10 =	vadd.s32 s20, v0;
	[sflag:s18] =	ssyncset.done @!p0 $0x0  }
0x1c: {  	v12 =	vand.u32 $0xF, v8;
	s19 =	simm.s32 $0x4;
	v4 =	vshll.u32 v9, $0x7;
	v5 =	vshll.u32 v10, $0x7;
	[sflag:s18] =	ssyncadd.s32 @!p0 $0xFFFFE000  }
0x1d: {  	v9 =	vand.u32 $0xF, v9;
	v10 =	vand.u32 $0xF, v10;
	v14 =	vshll.u32 v12, $0x7;
	s30 =	sand.u32 $0xC, s19;
	v7 =	vld.idx.msk [tilespmem:v6+s21+$0x0 ss:$0x1], $0xffff  }
0x1e: {  	v38 =	vshll.u32 v9, $0x7;
	v17 =	vshll.u32 v10, $0x7;
	s31 =	sor.u32 $0x1, s30;
	v36 =	vor.u32 v5, v33;
	s18 =	sor.u32 $0x1, s29  }
0x1f: {  	s22 =	sor.u32 $0x2, s30;
	v46 =	vor.u32 v4, v33;
	v15 =	vadd.s32 s31, v0;
	v11 =	vadd.s32 s18, v0  }
0x20: {  	v34 =	vadd.s32 s22, v0;
	v18 =	vor.u32 v17, v47;
	s18 =	sor.u32 $0x3, s30;
	v13 =	vand.u32 $0xF, v11  }
0x21: {  	v42 =	vand.u32 $0xF, v15;
	v35 =	vadd.s32 s18, v0;
	s18 =	sand.u32 $0x70, s19;
	v23 =	vshll.u32 v13, $0x7  }
0x22: {  	v62 =	vand.u32 $0xF, v35;
	v54 =	vor.u32 s18, v0;
	v7 =	vshll.u32 v7, $0x6  }
0x23: {  	v12 =	vor.u32 v12, v7;
	v16 =	vor.u32 v13, v7;
	v19 =	vand.u32 $0xFFFFFF80, v7  }
0x24: {  	v20 =	vor.u32 v9, v7;
	v10 =	vor.u32 v10, v7;
	v7 =	vor.u32 s21, v0  }
0x25: {  	v13 =	vadd.s32 s30, v0;
	v31 =	vand.u32 $0x4F, v12;
	v9 =	vor.u32 $0x10, v19  }
0x26: {  	v40 =	vand.u32 $0x4F, v16;
	v21 =	vor.u32 v7, v38;
	v22 =	vand.u32 $0x4F, v20  }
0x27: {  	v26 =	vand.u32 $0x4F, v10;
	v25 =	vor.u32 v7, v14;
	v28 =	vor.u32 v7, v23  }
0x28: {  	v29 =	vor.u32 v7, v17;
	v7 =	vshll.u32 v8, $0x7;
	v14 =	vor.u32 v14, v47;
	v17 =	vld.idx.msk [tilespmem:v6+s18+$0x0 ss:$0x1], $0xffff  }
0x29: {  	v8 =	vshll.u32 v34, $0x7;
	v37 =	vor.u32 $0x20, v19;
	v43 =	vor.u32 $0x30, v19;
	v10 =	vld.idx.msk [tilespmem:v10+s3+$0x0], $0xffff  }
0x2a: {  	v23 =	vor.u32 v23, v47;
	v38 =	vor.u32 v38, v47;
	v24 =	vor.u32 v40, v9;
	v12 =	vld.idx.msk [tilespmem:v12+s3+$0x0], $0xffff  }
0x2b: {  	v27 =	vor.u32 v31, v9;
	v30 =	vor.u32 v26, v9;
	v32 =	vor.u32 v22, v9  }
0x2c: {  	v9 =	vshll.u32 v11, $0x7;
	v11 =	vshll.u32 v35, $0x7;
	v63 =	vor.u32 v26, v37;
	v16 =	vld.idx.msk [tilespmem:v16+s3+$0x0], $0xffff  }
0x2d: {  	v45 =	vor.u32 v31, v37;
	v48 =	vor.u32 v40, v37;
	v40 =	vor.u32 v40, v43;
	v39 =	vld.idx.msk [tilespmem:v20+s3+$0x0], $0xffff  }
0x2e: {  	v41 =	vor.u32 v9, v33;
	v33 =	vor.u32 v7, v33;
	v17 =	vshll.u32 v17, $0x6;
	[tilespmem:v29+s12+$0x0] =	vst.idx.msk $0xffff, v10  }
0x2f: {  	v20 =	vand.u32 $0xF, v13;
	v50 =	vor.u32 v42, v17;
	v29 =	vand.u32 $0xF, v34;
	[tilespmem:v25+s12+$0x0] =	vst.idx.msk $0xffff, v12  }
0x30: {  	v19 =	vshll.u32 v20, $0x7;
	v52 =	vor.u32 v62, v17;
	v44 =	vld.idx.msk [tilespmem:v27+s3+$0x0], $0xffff;
	v51 =	vor.u32 v29, v17  }
0x31: {  	v25 =	vor.u32 v22, v37;
	v10 =	vor.u32 v22, v43;
	[tilespmem:v28+s12+$0x0] =	vst.idx.msk $0xffff, v16;
	v30 =	vld.idx.msk [tilespmem:v30+s3+$0x0], $0xffff  }
0x32: {  	v16 =	vor.u32 v26, v43;
	v37 =	vor.u32 v20, v17;
	[tilespmem:v21+s12+$0x0] =	vst.idx.msk $0xffff, v39;
	v49 =	vld.idx.msk [tilespmem:v24+s3+$0x0], $0xffff  }
0x33: {  	v20 =	vshll.u32 v62, $0x7;
	v22 =	vand.u32 $0xFFFFFF80, v17;
	v21 =	vand.u32 $0x4F, v52;
	v53 =	vld.idx.msk [tilespmem:v32+s3+$0x0], $0xffff  }
0x34: {  	v34 =	vor.u32 v54, v19;
	v12 =	vshll.u32 v29, $0x7;
	v27 =	vand.u32 $0x4F, v37;
	v32 =	vld.idx.msk [tilespmem:v50+s3+$0x0], $0xffff  }
0x35: {  	v55 =	vor.u32 $0x10, v22;
	v24 =	vshll.u32 v42, $0x7;
	v29 =	vor.u32 v54, v12;
	[tilespmem:v33+s12+$0x0] =	vst.idx.msk $0xffff, v44;
	v44 =	vld.idx.msk [tilespmem:v51+s3+$0x0], $0xffff  }
0x36: {  	v28 =	vor.u32 v27, v55;
	v35 =	vor.u32 v54, v24;
	[tilespmem:v36+s12+$0x0] =	vst.idx.msk $0xffff, v30;
	v39 =	vld.idx.msk [tilespmem:v45+s3+$0x0], $0xffff  }
0x37: {  	v17 =	vand.u32 $0x4F, v51;
	v30 =	vand.u32 $0x4F, v50;
	[tilespmem:v41+s12+$0x0] =	vst.idx.msk $0xffff, v49;
	v41 =	vor.u32 v54, v20;
	v45 =	vld.idx.msk [tilespmem:v63+s3+$0x0], $0xffff  }
0x38: {  	v36 =	vor.u32 v21, v55;
	v33 =	vor.u32 v31, v43;
	[tilespmem:v46+s12+$0x0] =	vst.idx.msk $0xffff, v53;
	v46 =	vld.idx.msk [tilespmem:v52+s3+$0x0], $0xffff  }
0x39: {  	s20 =	sshll.u32 s17, $0x1;
	v31 =	vor.u32 v17, v55;
	v43 =	vor.u32 s21, v3;
	v26 =	vor.u32 v30, v55;
	v42 =	vld.idx.msk [tilespmem:v48+s3+$0x0], $0xffff  }
.LBB2_3:
0x3a: {  	v47 =	vor.u32 v7, v43;
	v48 =	vor.u32 v4, v43  }
0x3b: {  	s19 =	sadd.s32 $0x4, s19;
	v37 =	vld.idx.msk [tilespmem:v37+s3+$0x0], $0xffff;
	v49 =	vor.u32 v5, v43;
	v4 =	vmovc v8;
	v5 =	vmovc v11;
	v50 =	vmov v27;
	v51 =	vmov v30  }
0x3c: {  	v7 =	vshll.u32 v13, $0x7;
	v27 =	vor.u32 v9, v43;
	v9 =	vshll.u32 v15, $0x7;
	s21 =	sand.u32 $0x70, s19;
	s22 =	sand.u32 $0xC, s19;
	p1 =	slt.u32 s19, $0x7C;
	v25 =	vld.idx.msk [tilespmem:v25+s3+$0x0], $0xffff;
	[tilespmem:v18+s12+$0x0] =	vst.idx.msk $0xffff, v45  }
0x3d: {  	v43 =	vor.u32 s18, v1;
	v52 =	vor.u32 s18, v2;
	v30 =	vld.idx.msk [tilespmem:v6+s21+$0x0 ss:$0x1], $0xffff;
	v13 =	vadd.s32 s22, v0;
	s23 =	sor.u32 $0x1, s22;
	s24 =	sor.u32 $0x2, s22;
	[tilespmem:v14+s12+$0x0] =	vst.idx.msk $0xffff, v39  }
0x3e: {  	s22 =	sor.u32 $0x3, s22;
	v14 =	vor.u32 v19, v52;
	v15 =	vadd.s32 s23, v0;
	v39 =	vadd.s32 s24, v0;
	v33 =	vld.idx.msk [tilespmem:v33+s3+$0x0], $0xffff;
	[tilespmem:v23+s12+$0x0] =	vst.idx.msk $0xffff, v42  }
0x3f: {  	v19 =	vadd.s32 s22, v0;
	v8 =	vshll.u32 v39, $0x7;
	[tilespmem:v29+s12+$0x0] =	vst.idx.msk $0xffff, v44;
	v29 =	vor.u32 v5, v43;
	v40 =	vld.idx.msk [tilespmem:v40+s3+$0x0], $0xffff  }
0x40: {  	v18 =	vor.u32 v20, v52;
	v42 =	vor.u32 v9, v43;
	v11 =	vshll.u32 v19, $0x7;
	[tilespmem:v41+s12+$0x0] =	vst.idx.msk $0xffff, v46  }
0x41: {  	v20 =	vor.u32 $0x20, v22;
	v53 =	vor.u32 v4, v43;
	v46 =	vor.u32 $0x30, v22;
	[tilespmem:v34+s12+$0x0] =	vst.idx.msk $0xffff, v37;
	v22 =	vld.idx.msk [tilespmem:v36+s3+$0x0], $0xffff  }
0x42: {  	v41 =	vor.u32 v21, v20;
	v34 =	vand.u32 $0xF, v39;
	v36 =	vand.u32 $0xF, v19;
	[tilespmem:v38+s12+$0x0] =	vst.idx.msk $0xffff, v25;
	v38 =	vld.idx.msk [tilespmem:v16+s3+$0x0], $0xffff  }
0x43: {  	v44 =	vand.u32 $0xF, v15;
	v37 =	vand.u32 $0xF, v13;
	v39 =	vor.u32 v7, v43;
	v28 =	vld.idx.msk [tilespmem:v28+s3+$0x0], $0xffff;
	[tilespmem:v35+s12+$0x0] =	vst.idx.msk $0xffff, v32  }
0x44: {  	v25 =	vor.u32 v17, v20;
	v32 =	vor.u32 v50, v20;
	v35 =	vld.idx.msk [tilespmem:v10+s3+$0x0], $0xffff;
	v10 =	vor.u32 v17, v46  }
0x45: {  	v23 =	vor.u32 v24, v52;
	v43 =	vor.u32 v51, v20;
	v54 =	vshll.u32 v34, $0x7;
	v31 =	vld.idx.msk [tilespmem:v31+s3+$0x0], $0xffff  }
0x46: {  	v19 =	vshll.u32 v37, $0x7;
	v16 =	vor.u32 v21, v46;
	v17 =	vshll.u32 v30, $0x6;
	v55 =	vld.idx.msk [tilespmem:v26+s3+$0x0], $0xffff;
	[tilespmem:v27+s12+$0x0] =	vst.idx.msk $0xffff, v40  }
0x47: {  	v20 =	vshll.u32 v36, $0x7;
	v37 =	vor.u32 v37, v17;
	v40 =	vor.u32 v44, v17;
	[tilespmem:v29+s12+$0x0] =	vst.idx.msk $0xffff, v22  }
0x48: {  	v56 =	vor.u32 v34, v17;
	v57 =	vor.u32 v36, v17;
	v22 =	vand.u32 $0xFFFFFF80, v17;
	[tilespmem:v49+s12+$0x0] =	vst.idx.msk $0xffff, v38  }
0x49: {  	v36 =	vor.u32 s21, v0;
	v27 =	vand.u32 $0x4F, v37;
	v38 =	vor.u32 $0x10, v22;
	[tilespmem:v39+s12+$0x0] =	vst.idx.msk $0xffff, v28  }
0x4a: {  	v30 =	vand.u32 $0x4F, v40;
	v29 =	vor.u32 v36, v54;
	v17 =	vand.u32 $0x4F, v56;
	v39 =	vld.idx.msk [tilespmem:v32+s3+$0x0], $0xffff;
	[tilespmem:v47+s12+$0x0] =	vst.idx.msk $0xffff, v33  }
.Ltmp0:
0x4b: {  	v24 =	vshll.u32 v44, $0x7;
	v21 =	vand.u32 $0x4F, v57;
	v26 =	vor.u32 v30, v38;
	v45 =	vld.idx.msk [tilespmem:v41+s3+$0x0], $0xffff;
	[tilespmem:v48+s12+$0x0] =	vst.idx.msk $0xffff, v35;
	(pc) =	sbr.rel @p1 .LBB2_3-.Ltmp0, $4  }
0x4c: {  	v34 =	vor.u32 v36, v19;
	v28 =	vor.u32 v27, v38;
	v32 =	vld.idx.msk [tilespmem:v40+s3+$0x0], $0xffff;
	[tilespmem:v42+s12+$0x0] =	vst.idx.msk $0xffff, v55  }
0x4d: {  	v35 =	vor.u32 v36, v24;
	v41 =	vor.u32 v36, v20;
	v36 =	vor.u32 v21, v38;
	v42 =	vld.idx.msk [tilespmem:v43+s3+$0x0], $0xffff  }
0x4e: {  	v33 =	vor.u32 v50, v46;
	v40 =	vor.u32 v51, v46;
	v44 =	vld.idx.msk [tilespmem:v56+s3+$0x0], $0xffff;
	[tilespmem:v53+s12+$0x0] =	vst.idx.msk $0xffff, v31  }
0x4f: {  	v43 =	vor.u32 s18, v3;
	s18 =	smov.u32 s21;
	v31 =	vor.u32 v17, v38;
	v38 =	vor.u32 v12, v52;
	v12 =	vmovc v54;
	v46 =	vld.idx.msk [tilespmem:v57+s3+$0x0], $0xffff  }
0x50: {  	_ =	sdelay $0x3  }
0x51: {  	v6 =	vld.idx.msk [tilespmem:v37+s3+$0x0], $0xffff;
	[tilespmem:v18+s12+$0x0] =	vst.idx.msk $0xffff, v45  }
0x52: {  	[tilespmem:v14+s12+$0x0] =	vst.idx.msk $0xffff, v39;
	v14 =	vshll.u32 v15, $0x7;
	v15 =	vld.idx.msk [tilespmem:v25+s3+$0x0], $0xffff  }
0x53: {  	v18 =	vor.u32 s18, v1;
	v13 =	vshll.u32 v13, $0x7;
	v47 =	vor.u32 $0x20, v22;
	[tilespmem:v35+s12+$0x0] =	vst.idx.msk $0xffff, v32  }
0x54: {  	v25 =	vor.u32 v14, v18;
	v48 =	vor.u32 v11, v18;
	v26 =	vld.idx.msk [tilespmem:v26+s3+$0x0], $0xffff;
	[tilespmem:v29+s12+$0x0] =	vst.idx.msk $0xffff, v44  }
0x55: {  	v50 =	vor.u32 v13, v18;
	v18 =	vor.u32 v8, v18;
	[tilespmem:v41+s12+$0x0] =	vst.idx.msk $0xffff, v46;
	v31 =	vld.idx.msk [tilespmem:v31+s3+$0x0], $0xffff  }
0x56: {  	v49 =	vor.u32 v30, v47;
	[tilespmem:v34+s12+$0x0] =	vst.idx.msk $0xffff, v6;
	v6 =	vld.idx.msk [tilespmem:v36+s3+$0x0], $0xffff  }
0x57: {  	v5 =	vor.u32 v5, v43;
	v16 =	vld.idx.msk [tilespmem:v16+s3+$0x0], $0xffff;
	[tilespmem:v38+s12+$0x0] =	vst.idx.msk $0xffff, v15;
	v15 =	vor.u32 v17, v47  }
0x58: {  	[tilespmem:v23+s12+$0x0] =	vst.idx.msk $0xffff, v42;
	v29 =	vor.u32 v21, v47;
	v28 =	vld.idx.msk [tilespmem:v28+s3+$0x0], $0xffff  }
0x59: {  	v9 =	vor.u32 v9, v43;
	v23 =	vor.u32 v27, v47;
	v51 =	vld.idx.msk [tilespmem:v40+s3+$0x0], $0xffff;
	[tilespmem:v25+s12+$0x0] =	vst.idx.msk $0xffff, v26  }
0x5a: {  	v52 =	vor.u32 s18, v2;
	v7 =	vor.u32 v7, v43;
	[tilespmem:v18+s12+$0x0] =	vst.idx.msk $0xffff, v31;
	v18 =	vld.idx.msk [tilespmem:v33+s3+$0x0], $0xffff  }
0x5b: {  	v22 =	vor.u32 $0x30, v22;
	v24 =	vor.u32 v24, v52;
	[tilespmem:v48+s12+$0x0] =	vst.idx.msk $0xffff, v6;
	v6 =	vld.idx.msk [tilespmem:v49+s3+$0x0], $0xffff  }
0x5c: {  	v12 =	vor.u32 v12, v52;
	[tilespmem:v5+s12+$0x0] =	vst.idx.msk $0xffff, v16;
	v26 =	vor.u32 v30, v22;
	v15 =	vld.idx.msk [tilespmem:v15+s3+$0x0], $0xffff  }
0x5d: {  	v20 =	vor.u32 v20, v52;
	v17 =	vor.u32 v17, v22;
	[tilespmem:v50+s12+$0x0] =	vst.idx.msk $0xffff, v28;
	v25 =	vld.idx.msk [tilespmem:v29+s3+$0x0], $0xffff  }
0x5e: {  	v19 =	vor.u32 v19, v52;
	v21 =	vor.u32 v21, v22;
	[tilespmem:v9+s12+$0x0] =	vst.idx.msk $0xffff, v51;
	v23 =	vld.idx.msk [tilespmem:v23+s3+$0x0], $0xffff  }
0x5f: {  	v9 =	vor.u32 v27, v22;
	[tilespmem:v7+s12+$0x0] =	vst.idx.msk $0xffff, v18  }
0x60: {  	v4 =	vor.u32 v4, v43;
	v5 =	vld.idx.msk [tilespmem:v10+s3+$0x0], $0xffff;
	v10 =	vor.u32 s18, v3;
	[tilespmem:v24+s12+$0x0] =	vst.idx.msk $0xffff, v6  }
0x61: {  	v6 =	vor.u32 v14, v10;
	[tilespmem:v12+s12+$0x0] =	vst.idx.msk $0xffff, v15;
	v14 =	vld.idx.msk [tilespmem:v26+s3+$0x0], $0xffff  }
0x62: {  	v7 =	vor.u32 v8, v10;
	[tilespmem:v20+s12+$0x0] =	vst.idx.msk $0xffff, v25;
	v8 =	vld.idx.msk [tilespmem:v17+s3+$0x0], $0xffff  }
0x63: {  	v11 =	vor.u32 v11, v10;
	[tilespmem:v19+s12+$0x0] =	vst.idx.msk $0xffff, v23;
	v16 =	vld.idx.msk [tilespmem:v21+s3+$0x0], $0xffff  }
0x64: {  	v13 =	vor.u32 v13, v10;
	v9 =	vld.idx.msk [tilespmem:v9+s3+$0x0], $0xffff  }
0x65: {  	[tilespmem:v4+s12+$0x0] =	vst.idx.msk $0xffff, v5  }
0x66: {  	s19 =	sshll.u32 s17, $0x13;
	s18 =	sor.u32 $0x1, s20;
	[tilespmem:v6+s12+$0x0] =	vst.idx.msk $0xffff, v14  }
0x67: {  	s19 =	sor.u32 s4, s19;
	s20 =	sshll.u32 s18, $0x7;
	[tilespmem:v7+s12+$0x0] =	vst.idx.msk $0xffff, v8  }
0x68: {  	s19 =	sshrl.u32 s19, $0x3;
	s20 =	sand.u32 $0x3FFFFF80, s20;
	[tilespmem:v11+s12+$0x0] =	vst.idx.msk $0xffff, v16  }
0x69: {  	s28 =	simm.s32 $0x0;
	s19 =	sadd.s32 s2, s19;
	s20 =	sadd.s32 $0xFA00, s20;
	[tilespmem:v13+s12+$0x0] =	vst.idx.msk $0xffff, v9  }
0x6a: {  	v6 =	vmov s20;
	[hbm4b:s19+s9] =	stream.strided.scatter [tilespmem:s12], [sflag:$0x1], $0x2000, s10, s9, $0x38;
	[tilespmem:$0x19E00] =	vst v63  }
0x6b: {  	s29 =	sand.u32 $0xC, s28;
	s19 =	simm.s32 @!p0 $0x2  }
0x6c: {  	s21 =	sand.u32 $0x70, s28;
	s22 =	sor.u32 $0x3, s29;
	_ =	swait.ge @!p0 [sflag:s19], $0x2000  }
0x6d: {  	v53 =	vor.u32 s21, v1;
	v10 =	vadd.s32 s22, v0;
	[sflag:s19] =	ssyncset.done @!p0 $0x0  }
0x6e: {  	v47 =	vor.u32 s21, v2;
	v5 =	vshll.u32 v10, $0x7;
	v10 =	vand.u32 $0xF, v10;
	s20 =	sor.u32 $0x2, s29;
	[sflag:s19] =	ssyncadd.s32 @!p0 $0xFFFFE000  }
0x6f: {  	v17 =	vshll.u32 v10, $0x7;
	v8 =	vadd.s32 s29, v0;
	v9 =	vadd.s32 s20, v0;
	s20 =	simm.s32 $0x4;
	v7 =	vld.idx.msk [tilespmem:v6+s21+$0x0 ss:$0x1], $0xffff  }
0x70: {  	v36 =	vor.u32 v5, v53;
	v18 =	vor.u32 v17, v47;
	v12 =	vand.u32 $0xF, v8;
	s30 =	sand.u32 $0xC, s20  }
0x71: {  	v14 =	vshll.u32 v12, $0x7;
	v4 =	vshll.u32 v9, $0x7;
	v9 =	vand.u32 $0xF, v9;
	s31 =	sor.u32 $0x1, s30  }
0x72: {  	v38 =	vshll.u32 v9, $0x7;
	s23 =	sor.u32 $0x2, s30;
	v57 =	vor.u32 v4, v53;
	v15 =	vadd.s32 s31, v0;
	s19 =	sor.u32 $0x1, s29  }
0x73: {  	v54 =	vadd.s32 s23, v0;
	v61 =	vand.u32 $0xF, v15;
	v11 =	vadd.s32 s19, v0;
	s19 =	sor.u32 $0x3, s30  }
0x74: {  	v13 =	vand.u32 $0xF, v11;
	v55 =	vadd.s32 s19, v0;
	v7 =	vshll.u32 v7, $0x6  }
0x75: {  	v23 =	vshll.u32 v13, $0x7;
	v58 =	vand.u32 $0xF, v55;
	v12 =	vor.u32 v12, v7  }
0x76: {  	v16 =	vor.u32 v13, v7;
	v19 =	vand.u32 $0xFFFFFF80, v7;
	v20 =	vor.u32 v9, v7  }
0x77: {  	v10 =	vor.u32 v10, v7;
	v7 =	vor.u32 s21, v0;
	v13 =	vadd.s32 s30, v0  }
0x78: {  	v31 =	vand.u32 $0x4F, v12;
	v9 =	vor.u32 $0x10, v19;
	v40 =	vand.u32 $0x4F, v16  }
0x79: {  	v21 =	vor.u32 v7, v38;
	v22 =	vand.u32 $0x4F, v20;
	v26 =	vand.u32 $0x4F, v10  }
0x7a: {  	s19 =	sand.u32 $0x70, s20;
	v25 =	vor.u32 v7, v14;
	v28 =	vor.u32 v7, v23;
	v29 =	vor.u32 v7, v17  }
0x7b: {  	v7 =	vshll.u32 v8, $0x7;
	v14 =	vor.u32 v14, v47;
	v8 =	vshll.u32 v54, $0x7;
	v17 =	vld.idx.msk [tilespmem:v6+s19+$0x0 ss:$0x1], $0xffff  }
0x7c: {  	v56 =	vor.u32 $0x20, v19;
	v43 =	vor.u32 $0x30, v19;
	v23 =	vor.u32 v23, v47  }
0x7d: {  	v38 =	vor.u32 v38, v47;
	v24 =	vor.u32 v40, v9;
	v27 =	vor.u32 v31, v9;
	v12 =	vld.idx.msk [tilespmem:v12+s3+$0x0], $0xffff  }
0x7e: {  	v30 =	vor.u32 v26, v9;
	v32 =	vor.u32 v22, v9;
	v9 =	vshll.u32 v11, $0x7;
	v10 =	vld.idx.msk [tilespmem:v10+s3+$0x0], $0xffff  }
0x7f: {  	v59 =	vor.u32 v26, v56;
	v33 =	vor.u32 v7, v53;
	v63 =	vor.u32 v31, v56;
	v16 =	vld.idx.msk [tilespmem:v16+s3+$0x0], $0xffff  }
0x80: {  	v48 =	vor.u32 v40, v56;
	v60 =	vld.idx.msk [tilespmem:v20+s3+$0x0], $0xffff;
	v20 =	vand.u32 $0xF, v13;
	v17 =	vshll.u32 v17, $0x6  }
0x81: {  	v40 =	vor.u32 v40, v43;
	v41 =	vor.u32 v9, v53;
	v37 =	vor.u32 v20, v17  }
0x82: {  	v11 =	vshll.u32 v55, $0x7;
	v50 =	vor.u32 v61, v17;
	v52 =	vor.u32 v58, v17;
	[tilespmem:v25+s13+$0x0] =	vst.idx.msk $0xffff, v12  }
0x83: {  	v19 =	vshll.u32 v20, $0x7;
	[tilespmem:v29+s13+$0x0] =	vst.idx.msk $0xffff, v10;
	v29 =	vand.u32 $0xF, v54;
	v25 =	vor.u32 v22, v56;
	v62 =	vld.idx.msk [tilespmem:v27+s3+$0x0], $0xffff  }
0x84: {  	v10 =	vor.u32 v22, v43;
	[tilespmem:v28+s13+$0x0] =	vst.idx.msk $0xffff, v16;
	v30 =	vld.idx.msk [tilespmem:v30+s3+$0x0], $0xffff;
	v51 =	vor.u32 v29, v17  }
0x85: {  	v20 =	vshll.u32 v58, $0x7;
	v16 =	vor.u32 v26, v43;
	[tilespmem:v21+s13+$0x0] =	vst.idx.msk $0xffff, v60;
	v22 =	vand.u32 $0xFFFFFF80, v17;
	v49 =	vld.idx.msk [tilespmem:v24+s3+$0x0], $0xffff  }
0x86: {  	v54 =	vor.u32 s19, v0;
	v21 =	vand.u32 $0x4F, v52;
	v12 =	vshll.u32 v29, $0x7;
	v53 =	vld.idx.msk [tilespmem:v32+s3+$0x0], $0xffff  }
0x87: {  	v27 =	vand.u32 $0x4F, v37;
	v55 =	vor.u32 $0x10, v22;
	v24 =	vshll.u32 v61, $0x7;
	v32 =	vld.idx.msk [tilespmem:v50+s3+$0x0], $0xffff  }
0x88: {  	v34 =	vor.u32 v54, v19;
	v29 =	vor.u32 v54, v12;
	v46 =	vld.idx.msk [tilespmem:v52+s3+$0x0], $0xffff;
	[tilespmem:v33+s13+$0x0] =	vst.idx.msk $0xffff, v62  }
0x89: {  	v28 =	vor.u32 v27, v55;
	v35 =	vor.u32 v54, v24;
	[tilespmem:v36+s13+$0x0] =	vst.idx.msk $0xffff, v30;
	v44 =	vld.idx.msk [tilespmem:v51+s3+$0x0], $0xffff  }
0x8a: {  	v17 =	vand.u32 $0x4F, v51;
	v30 =	vand.u32 $0x4F, v50;
	[tilespmem:v41+s13+$0x0] =	vst.idx.msk $0xffff, v49;
	v41 =	vor.u32 v54, v20;
	v45 =	vld.idx.msk [tilespmem:v59+s3+$0x0], $0xffff  }
0x8b: {  	v36 =	vor.u32 v21, v55;
	v33 =	vor.u32 v31, v43;
	[tilespmem:v57+s13+$0x0] =	vst.idx.msk $0xffff, v53;
	v39 =	vld.idx.msk [tilespmem:v63+s3+$0x0], $0xffff  }
0x8c: {  	v31 =	vor.u32 v17, v55;
	v43 =	vor.u32 s21, v3;
	v26 =	vor.u32 v30, v55;
	v42 =	vld.idx.msk [tilespmem:v48+s3+$0x0], $0xffff  }
.LBB2_5:
0x8d: {  	v47 =	vor.u32 v7, v43;
	v48 =	vor.u32 v4, v43  }
0x8e: {  	s20 =	sadd.s32 $0x4, s20;
	v37 =	vld.idx.msk [tilespmem:v37+s3+$0x0], $0xffff;
	v49 =	vor.u32 v5, v43;
	v4 =	vmovc v8;
	v5 =	vmovc v11;
	v50 =	vmov v27;
	v51 =	vmov v30  }
0x8f: {  	v7 =	vshll.u32 v13, $0x7;
	v27 =	vor.u32 v9, v43;
	v9 =	vshll.u32 v15, $0x7;
	s21 =	sand.u32 $0x70, s20;
	s22 =	sand.u32 $0xC, s20;
	p0 =	slt.u32 s20, $0x7C;
	v25 =	vld.idx.msk [tilespmem:v25+s3+$0x0], $0xffff;
	[tilespmem:v18+s13+$0x0] =	vst.idx.msk $0xffff, v45  }
0x90: {  	v43 =	vor.u32 s19, v1;
	v52 =	vor.u32 s19, v2;
	v30 =	vld.idx.msk [tilespmem:v6+s21+$0x0 ss:$0x1], $0xffff;
	v13 =	vadd.s32 s22, v0;
	s23 =	sor.u32 $0x1, s22;
	s24 =	sor.u32 $0x2, s22;
	[tilespmem:v14+s13+$0x0] =	vst.idx.msk $0xffff, v39  }
0x91: {  	s22 =	sor.u32 $0x3, s22;
	v14 =	vor.u32 v19, v52;
	v15 =	vadd.s32 s23, v0;
	v39 =	vadd.s32 s24, v0;
	v33 =	vld.idx.msk [tilespmem:v33+s3+$0x0], $0xffff;
	[tilespmem:v23+s13+$0x0] =	vst.idx.msk $0xffff, v42  }
0x92: {  	v19 =	vadd.s32 s22, v0;
	v8 =	vshll.u32 v39, $0x7;
	[tilespmem:v29+s13+$0x0] =	vst.idx.msk $0xffff, v44;
	v29 =	vor.u32 v5, v43;
	v40 =	vld.idx.msk [tilespmem:v40+s3+$0x0], $0xffff  }
0x93: {  	v18 =	vor.u32 v20, v52;
	v42 =	vor.u32 v9, v43;
	v11 =	vshll.u32 v19, $0x7;
	[tilespmem:v41+s13+$0x0] =	vst.idx.msk $0xffff, v46  }
0x94: {  	v20 =	vor.u32 $0x20, v22;
	v53 =	vor.u32 v4, v43;
	v46 =	vor.u32 $0x30, v22;
	[tilespmem:v34+s13+$0x0] =	vst.idx.msk $0xffff, v37;
	v22 =	vld.idx.msk [tilespmem:v36+s3+$0x0], $0xffff  }
0x95: {  	v41 =	vor.u32 v21, v20;
	v34 =	vand.u32 $0xF, v39;
	v36 =	vand.u32 $0xF, v19;
	[tilespmem:v38+s13+$0x0] =	vst.idx.msk $0xffff, v25;
	v38 =	vld.idx.msk [tilespmem:v16+s3+$0x0], $0xffff  }
0x96: {  	v44 =	vand.u32 $0xF, v15;
	v37 =	vand.u32 $0xF, v13;
	v39 =	vor.u32 v7, v43;
	v28 =	vld.idx.msk [tilespmem:v28+s3+$0x0], $0xffff;
	[tilespmem:v35+s13+$0x0] =	vst.idx.msk $0xffff, v32  }
0x97: {  	v25 =	vor.u32 v17, v20;
	v32 =	vor.u32 v50, v20;
	v35 =	vld.idx.msk [tilespmem:v10+s3+$0x0], $0xffff;
	v10 =	vor.u32 v17, v46  }
0x98: {  	v23 =	vor.u32 v24, v52;
	v43 =	vor.u32 v51, v20;
	v54 =	vshll.u32 v34, $0x7;
	v31 =	vld.idx.msk [tilespmem:v31+s3+$0x0], $0xffff  }
0x99: {  	v19 =	vshll.u32 v37, $0x7;
	v16 =	vor.u32 v21, v46;
	v17 =	vshll.u32 v30, $0x6;
	v55 =	vld.idx.msk [tilespmem:v26+s3+$0x0], $0xffff;
	[tilespmem:v27+s13+$0x0] =	vst.idx.msk $0xffff, v40  }
0x9a: {  	v20 =	vshll.u32 v36, $0x7;
	v37 =	vor.u32 v37, v17;
	v40 =	vor.u32 v44, v17;
	[tilespmem:v29+s13+$0x0] =	vst.idx.msk $0xffff, v22  }
0x9b: {  	v56 =	vor.u32 v34, v17;
	v57 =	vor.u32 v36, v17;
	v22 =	vand.u32 $0xFFFFFF80, v17;
	[tilespmem:v49+s13+$0x0] =	vst.idx.msk $0xffff, v38  }
0x9c: {  	v36 =	vor.u32 s21, v0;
	v27 =	vand.u32 $0x4F, v37;
	v38 =	vor.u32 $0x10, v22;
	[tilespmem:v39+s13+$0x0] =	vst.idx.msk $0xffff, v28  }
0x9d: {  	v30 =	vand.u32 $0x4F, v40;
	v29 =	vor.u32 v36, v54;
	v17 =	vand.u32 $0x4F, v56;
	v39 =	vld.idx.msk [tilespmem:v32+s3+$0x0], $0xffff;
	[tilespmem:v47+s13+$0x0] =	vst.idx.msk $0xffff, v33  }
.Ltmp1:
0x9e: {  	v24 =	vshll.u32 v44, $0x7;
	v21 =	vand.u32 $0x4F, v57;
	v26 =	vor.u32 v30, v38;
	v45 =	vld.idx.msk [tilespmem:v41+s3+$0x0], $0xffff;
	[tilespmem:v48+s13+$0x0] =	vst.idx.msk $0xffff, v35;
	(pc) =	sbr.rel @p0 .LBB2_5-.Ltmp1, $4  }
0x9f: {  	v34 =	vor.u32 v36, v19;
	v28 =	vor.u32 v27, v38;
	v32 =	vld.idx.msk [tilespmem:v40+s3+$0x0], $0xffff;
	[tilespmem:v42+s13+$0x0] =	vst.idx.msk $0xffff, v55  }
0xa0: {  	v35 =	vor.u32 v36, v24;
	v41 =	vor.u32 v36, v20;
	v36 =	vor.u32 v21, v38;
	v42 =	vld.idx.msk [tilespmem:v43+s3+$0x0], $0xffff  }
0xa1: {  	v33 =	vor.u32 v50, v46;
	v40 =	vor.u32 v51, v46;
	v44 =	vld.idx.msk [tilespmem:v56+s3+$0x0], $0xffff;
	[tilespmem:v53+s13+$0x0] =	vst.idx.msk $0xffff, v31  }
0xa2: {  	v43 =	vor.u32 s19, v3;
	s19 =	smov.u32 s21;
	v31 =	vor.u32 v17, v38;
	v38 =	vor.u32 v12, v52;
	v12 =	vmovc v54;
	v46 =	vld.idx.msk [tilespmem:v57+s3+$0x0], $0xffff  }
0xa3: {  	_ =	sdelay $0x3  }
0xa4: {  	v6 =	vld.idx.msk [tilespmem:v37+s3+$0x0], $0xffff;
	[tilespmem:v18+s13+$0x0] =	vst.idx.msk $0xffff, v45  }
0xa5: {  	[tilespmem:v14+s13+$0x0] =	vst.idx.msk $0xffff, v39  }
0xa6: {  	v14 =	vshll.u32 v15, $0x7;
	v57 =	vld.idx.msk [tilespmem:v25+s3+$0x0], $0xffff;
	v58 =	vor.u32 s19, v1;
	[tilespmem:v35+s13+$0x0] =	vst.idx.msk $0xffff, v32  }
0xa7: {  	v13 =	vshll.u32 v13, $0x7;
	v60 =	vor.u32 $0x20, v22;
	v59 =	vor.u32 v14, v58;
	v26 =	vld.idx.msk [tilespmem:v26+s3+$0x0], $0xffff;
	[tilespmem:v29+s13+$0x0] =	vst.idx.msk $0xffff, v44  }
0xa8: {  	v63 =	vor.u32 v30, v60;
	v18 =	vor.u32 v8, v58;
	[tilespmem:v41+s13+$0x0] =	vst.idx.msk $0xffff, v46;
	v31 =	vld.idx.msk [tilespmem:v31+s3+$0x0], $0xffff  }
0xa9: {  	v61 =	vor.u32 v11, v58;
	v47 =	vor.u32 v17, v60;
	[tilespmem:v34+s13+$0x0] =	vst.idx.msk $0xffff, v6;
	v62 =	vld.idx.msk [tilespmem:v36+s3+$0x0], $0xffff  }
0xaa: {  	[tilespmem:v23+s13+$0x0] =	vst.idx.msk $0xffff, v42;
	v44 =	vor.u32 v13, v58;
	v41 =	vor.u32 v21, v60;
	v28 =	vld.idx.msk [tilespmem:v28+s3+$0x0], $0xffff  }
0xab: {  	v5 =	vor.u32 v5, v43;
	v45 =	vor.u32 v27, v60;
	v16 =	vld.idx.msk [tilespmem:v16+s3+$0x0], $0xffff;
	[tilespmem:v38+s13+$0x0] =	vst.idx.msk $0xffff, v57  }
0xac: {  	v48 =	vor.u32 s19, v2;
	v7 =	vor.u32 v7, v43;
	v55 =	vld.idx.msk [tilespmem:v33+s3+$0x0], $0xffff;
	[tilespmem:v59+s13+$0x0] =	vst.idx.msk $0xffff, v26  }
0xad: {  	v49 =	vor.u32 $0x30, v22;
	v24 =	vor.u32 v24, v48;
	v50 =	vld.idx.msk [tilespmem:v63+s3+$0x0], $0xffff;
	[tilespmem:v18+s13+$0x0] =	vst.idx.msk $0xffff, v31  }
0xae: {  	v52 =	vor.u32 v30, v49;
	v12 =	vor.u32 v12, v48;
	[tilespmem:v61+s13+$0x0] =	vst.idx.msk $0xffff, v62;
	v15 =	vld.idx.msk [tilespmem:v47+s3+$0x0], $0xffff  }
0xaf: {  	v20 =	vor.u32 v20, v48;
	v56 =	vor.u32 v17, v49;
	[tilespmem:v44+s13+$0x0] =	vst.idx.msk $0xffff, v28;
	v51 =	vld.idx.msk [tilespmem:v41+s3+$0x0], $0xffff  }
0xb0: {  	v19 =	vor.u32 v19, v48;
	v53 =	vor.u32 v21, v49;
	[tilespmem:v5+s13+$0x0] =	vst.idx.msk $0xffff, v16;
	v23 =	vld.idx.msk [tilespmem:v45+s3+$0x0], $0xffff  }
0xb1: {  	v9 =	vor.u32 v9, v43;
	v54 =	vor.u32 v27, v49;
	v46 =	vld.idx.msk [tilespmem:v40+s3+$0x0], $0xffff;
	[tilespmem:v7+s13+$0x0] =	vst.idx.msk $0xffff, v55  }
0xb2: {  	v4 =	vor.u32 v4, v43;
	v57 =	vor.u32 s19, v3;
	v5 =	vld.idx.msk [tilespmem:v10+s3+$0x0], $0xffff;
	[tilespmem:v24+s13+$0x0] =	vst.idx.msk $0xffff, v50  }
0xb3: {  	v58 =	vor.u32 v14, v57;
	v59 =	vld.idx.msk [tilespmem:v52+s3+$0x0], $0xffff;
	[tilespmem:v12+s13+$0x0] =	vst.idx.msk $0xffff, v15  }
0xb4: {  	v62 =	vor.u32 v8, v57;
	[tilespmem:v20+s13+$0x0] =	vst.idx.msk $0xffff, v51;
	v63 =	vld.idx.msk [tilespmem:v56+s3+$0x0], $0xffff  }
0xb5: {  	v60 =	vor.u32 v11, v57;
	[tilespmem:v19+s13+$0x0] =	vst.idx.msk $0xffff, v23;
	v61 =	vld.idx.msk [tilespmem:v53+s3+$0x0], $0xffff  }
0xb6: {  	s17 =	sadd.s32 $0x1, s17;
	v13 =	vor.u32 v13, v57;
	[tilespmem:v9+s13+$0x0] =	vst.idx.msk $0xffff, v46;
	v9 =	vld.idx.msk [tilespmem:v54+s3+$0x0], $0xffff  }
0xb7: {  	p0 =	sne.s32 s17, $0x64;
	[tilespmem:v4+s13+$0x0] =	vst.idx.msk $0xffff, v5  }
.Ltmp2:
0xb8: {  	s18 =	sshll.u32 s18, $0x12;
	[tilespmem:v58+s13+$0x0] =	vst.idx.msk $0xffff, v59;
	(pc) =	sbr.rel @p0 .LBB2_2-.Ltmp2, $4  }
0xb9: {  	s18 =	sor.u32 s4, s18;
	[tilespmem:v62+s13+$0x0] =	vst.idx.msk $0xffff, v63  }
0xba: {  	s18 =	sshrl.u32 s18, $0x3;
	[tilespmem:v60+s13+$0x0] =	vst.idx.msk $0xffff, v61  }
0xbb: {  	s18 =	sadd.s32 s2, s18;
	[tilespmem:v13+s13+$0x0] =	vst.idx.msk $0xffff, v9  }
0xbc: {  	[hbm4b:s18+s9] =	stream.strided.scatter [tilespmem:s13], [sflag:$0x2], $0x2000, s10, s9, $0x38;
	[tilespmem:$0x19E00] =	vst v63  }
0xbd: {  	s16 =	sadd.s32 $0x1, s16  }
0xbe: {  	_ =	swait.ge [sflag:s14], $0x2000;
	p0 =	sne.s32 s16, s7  }
.Ltmp3:
0xbf: {  	[sflag:s14] =	ssyncset.done $0x0;
	(pc) =	sbr.rel @p0 .LBB2_1-.Ltmp3, $4  }
0xc0: {  	[sflag:s14] =	ssyncadd.s32 $0xFFFFE000  }
0xc1: {  	_ =	swait.ge [sflag:s15], $0x2000  }
0xc2: {  	[sflag:s15] =	ssyncset.done $0x0  }
0xc3: {  	[sflag:s15] =	ssyncadd.s32 $0xFFFFE000  }
0xc4: {  	_ =	sfence.sel $0x180000  }
0xc5: {  	[bflag:$0x0] =	sbarrier.arrive $0xFFFF  }
0xc6: {  	p0 =	sne.s32 s1, $0x0;
	_ =	strace $0x90000047  }
0xc7: {  	s0 =	sadd.s32 @!p0 $0x100000, s0;
	[bflag:$0x2] =	sbarrier.arrive $0xFFFF  }
0xc8: {  	[sflag:s0] =	ssyncadd.tile.s32 @!p0 $0x1;
	_ =	shalt  }
.Lfunc_end2:
_tile_overlayer_lowered:
.L_overlay_start_2:
0xc9: {  	(tag) =	ssettag $0x2  }
0xca: {  	s0 =	rddreg [dreg:$0x0];
	s2 =	stileid.u32  }
0xcb: {  	s1 =	rddreg [dreg:$0x1];
	p0 =	sne.s32 s2, $0x0  }
0xcc: {  	s3 =	rddreg [dreg:$0x2];
	[bflag:$0x3] =	sbarrier.arrive $0xFFFF;
	s2 =	simm.s32 @!p0 $0x1C03  }
0xcd: {  	[timem:s3], [sflag:s2] =	dma.local @!p0 [hbm:s0], s1  }
0xce: {  	s0 =	simm.s32 @!p0 $0x3  }
0xcf: {  	_ =	swait.ge @!p0 [sflag:s0], s1  }
0xd0: {  	s1 =	ssub.s32 @!p0 $0x0, s1;
	[sflag:s0] =	ssyncset.done @!p0 $0x0  }
0xd1: {  	[sflag:s0] =	ssyncadd.s32 @!p0 s1  }
0xd2: {  	[bflag:$0x3] =	sbarrier.arrive $0xFFFF  }
0xd3: {  	_ =	shalt  }

</sc_bundles>
